<compile_context>
chip_gen: v7x
topology: tpu7x:2x2x1
jax: 0.10.2.dev20260603
libtpu: 0.0.44.dev20260713+nightly
codegen_flags: <defaults>
</compile_context>

<pallas_src>
import functools

import jax
import jax.numpy as jnp
from jax import lax
from jax.experimental import pallas as pl
from jax.experimental.pallas import tpu as pltpu
from jax.experimental.pallas import tpu_sc as plsc

N = 10000
E = 320000
D = 128
HD = D // 2
G = 64
OUT_DIM = 10

NC = 2
NS = 16
CH = 250
NCH = E // NS // CH
RZ = 624

_MESH = plsc.VectorSubcoreMesh(core_axis_name="c", subcore_axis_name="s",
                               num_cores=NC, num_subcores=NS)


@functools.partial(
    pl.kernel,
    out_type=jax.ShapeDtypeStruct((NC, N, 16), jnp.float32),
    mesh=_MESH,
    compiler_params=pltpu.CompilerParams(use_tc_tiling_on_sc=False),
    scratch_types=[
        pltpu.VMEM((NCH, CH), jnp.int32),
        pltpu.VMEM((CH, 16), jnp.float32),
        pltpu.VMEM_SHARED((N, 16), jnp.float32),
        pltpu.SemaphoreType.DMA,
    ],
)
def _deg_kernel(dst_r, cnt_hbm, dst_v, ones_v, cnt_sh, dsem):
    core = lax.axis_index("c")
    sid = lax.axis_index("s")
    row0 = sid * RZ
    nblk = jnp.where(sid == NS - 1, (N - (NS - 1) * RZ) // 16, RZ // 16)

    zero = jnp.zeros((16,), jnp.float32)

    def zbody(i, _):
        ones_v[i, pl.ds(0, 16)] = zero
        return 0

    lax.fori_loop(0, 16, zbody, 0)

    def zdma(t, _):
        pltpu.sync_copy(ones_v.at[pl.ds(0, 16)],
                        cnt_sh.at[pl.ds(row0 + t * 16, 16)])
        return 0

    lax.fori_loop(0, nblk, zdma, 0)

    one = jnp.ones((16,), jnp.float32)

    def obody(i, _):
        ones_v[i, pl.ds(0, 16)] = one
        return 0

    lax.fori_loop(0, CH, obody, 0)

    pltpu.sync_copy(dst_r.at[sid], dst_v)
    plsc.subcore_barrier()

    j0 = core * (NCH // 2)

    def ebody(j, _):
        pltpu.async_copy(ones_v, cnt_sh.at[dst_v.at[j0 + j]], dsem, add=True)
        return 0

    lax.fori_loop(0, NCH // 2, ebody, 0)

    def dbody(j, _):
        pltpu.make_async_copy(ones_v, cnt_sh.at[dst_v.at[j0 + j]],
                              dsem).wait()
        return 0

    lax.fori_loop(0, NCH // 2, dbody, 0)

    plsc.subcore_barrier()

    def wdma(t, _):
        off = row0 + t * 16
        pltpu.sync_copy(cnt_sh.at[pl.ds(off, 16)],
                        cnt_hbm.at[core, pl.ds(off, 16)])
        return 0

    lax.fori_loop(0, nblk, wdma, 0)


@functools.partial(
    pl.kernel,
    out_type=jax.ShapeDtypeStruct((NC, N, HD), jnp.float32),
    mesh=_MESH,
    compiler_params=pltpu.CompilerParams(use_tc_tiling_on_sc=False),
    scratch_types=[
        pltpu.VMEM((NCH, CH), jnp.int32),
        pltpu.VMEM((NCH, CH), jnp.int32),
        pltpu.VMEM((2, CH, HD), jnp.float32),
        pltpu.VMEM_SHARED((N, HD), jnp.float32),
        pltpu.SemaphoreType.DMA,
        pltpu.SemaphoreType.DMA,
        pltpu.SemaphoreType.DMA,
        pltpu.SemaphoreType.DMA,
    ],
)
def _edge_kernel(y_hbm, src_r, dst_r, z_hbm, src_v, dst_v, rows_v, z_sh,
                 gs0, gs1, ss0, ss1):
    core = lax.axis_index("c")
    sid = lax.axis_index("s")
    row0 = sid * RZ

    ytab = y_hbm.at[core]

    @pl.when(sid < NS - 1)
    def _():
        pltpu.sync_copy(ytab.at[pl.ds(row0, RZ)], z_sh.at[pl.ds(row0, RZ)])

    @pl.when(sid == NS - 1)
    def _():
        last = N - (NS - 1) * RZ
        pltpu.sync_copy(ytab.at[pl.ds((NS - 1) * RZ, last)],
                        z_sh.at[pl.ds((NS - 1) * RZ, last)])

    pltpu.sync_copy(src_r.at[sid], src_v)
    pltpu.sync_copy(dst_r.at[sid], dst_v)
    plsc.subcore_barrier()

    pltpu.async_copy(ytab.at[src_v.at[0]], rows_v.at[0], gs0)

    def ebody(t, _):
        j0 = 2 * t
        j1 = j0 + 1
        pltpu.async_copy(ytab.at[src_v.at[j1]], rows_v.at[1], gs1)
        pltpu.make_async_copy(ytab.at[src_v.at[j0]], rows_v.at[0],
                              gs0).wait()
        pltpu.sync_copy(rows_v.at[0], z_sh.at[dst_v.at[j0]], add=True)

        @pl.when(t < NCH // 2 - 1)
        def _():
            pltpu.async_copy(ytab.at[src_v.at[j0 + 2]], rows_v.at[0], gs0)

        pltpu.make_async_copy(ytab.at[src_v.at[j1]], rows_v.at[1],
                              gs1).wait()
        pltpu.sync_copy(rows_v.at[1], z_sh.at[dst_v.at[j1]], add=True)
        return 0

    lax.fori_loop(0, NCH // 2, ebody, 0)

    plsc.subcore_barrier()

    @pl.when(sid < NS - 1)
    def _():
        pltpu.sync_copy(z_sh.at[pl.ds(row0, RZ)],
                        z_hbm.at[core, pl.ds(row0, RZ)])

    @pl.when(sid == NS - 1)
    def _():
        last = N - (NS - 1) * RZ
        pltpu.sync_copy(z_sh.at[pl.ds((NS - 1) * RZ, last)],
                        z_hbm.at[core, pl.ds((NS - 1) * RZ, last)])


BLK = 2000
NG = N // BLK


def _tc1_body(x_ref, w_ref, cnt_ref, y_ref):
    s = jnp.sum(jnp.sum(cnt_ref[...], axis=2), axis=0) * 0.0625
    dinv = lax.rsqrt(s + 1.0)
    xw = jnp.dot(x_ref[...], w_ref[...], preferred_element_type=jnp.float32)
    y = xw * dinv[:, None]
    y_ref[0] = y[:, :HD]
    y_ref[1] = y[:, HD:]


def _tc2_body(z_ref, cnt_ref, b1_ref, w2_ref, y2_ref):
    s = jnp.sum(jnp.sum(cnt_ref[...], axis=2), axis=0) * 0.0625
    dinv = lax.rsqrt(s + 1.0)
    zy = jnp.concatenate([z_ref[0], z_ref[1]], axis=1)
    agg = zy * dinv[:, None] + b1_ref[...]
    h = jnp.maximum(agg, 0.0)
    y2 = jnp.dot(h, w2_ref[...],
                 preferred_element_type=jnp.float32) * dinv[:, None]
    y2_ref[0] = y2[:, :HD]
    y2_ref[1] = y2[:, HD:]


def _tc3_body(z_ref, cnt_ref, b2_ref, batch_ref, wout_ref, bout_ref,
              o_ref, accs, accc):
    i = pl.program_id(0)

    @pl.when(i == 0)
    def _():
        accs[...] = jnp.zeros((G, D), jnp.float32)
        accc[...] = jnp.zeros((G, D), jnp.float32)

    s = jnp.sum(jnp.sum(cnt_ref[...], axis=2), axis=0) * 0.0625
    dinv = lax.rsqrt(s + 1.0)
    zy = jnp.concatenate([z_ref[0], z_ref[1]], axis=1)
    h2 = zy * dinv[:, None] + b2_ref[...]

    bt = batch_ref[0]
    gids = lax.broadcasted_iota(jnp.int32, (G, 1), 0)
    ohT = (gids == bt).astype(jnp.float32)
    accs[...] += jnp.dot(ohT, h2, preferred_element_type=jnp.float32)
    accc[...] += jnp.sum(ohT, axis=1, keepdims=True)

    @pl.when(i == NG - 1)
    def _():
        counts = accc[:, 0:1]
        pooled = accs[...] / jnp.maximum(counts, 1.0)
        logits = jnp.dot(pooled, wout_ref[...],
                         preferred_element_type=jnp.float32) + bout_ref[...]
        m = jnp.max(logits, axis=1, keepdims=True)
        e = jnp.exp(logits - m)
        ssum = jnp.sum(e, axis=1, keepdims=True)
        o_ref[...] = (logits - m) - jnp.log(ssum)


def _tc1(x, W1, cnt):
    return pl.pallas_call(
        _tc1_body,
        grid=(NG,),
        in_specs=[
            pl.BlockSpec((BLK, D), lambda i: (i, 0)),
            pl.BlockSpec((D, D), lambda i: (0, 0)),
            pl.BlockSpec((NC, BLK, 16), lambda i: (0, i, 0)),
        ],
        out_specs=pl.BlockSpec((NC, BLK, HD), lambda i: (0, i, 0)),
        out_shape=jax.ShapeDtypeStruct((NC, N, HD), jnp.float32),
    )(x, W1, cnt)


def _tc2(z, cnt, b1, W2):
    return pl.pallas_call(
        _tc2_body,
        grid=(NG,),
        in_specs=[
            pl.BlockSpec((NC, BLK, HD), lambda i: (0, i, 0)),
            pl.BlockSpec((NC, BLK, 16), lambda i: (0, i, 0)),
            pl.BlockSpec((1, D), lambda i: (0, 0)),
            pl.BlockSpec((D, D), lambda i: (0, 0)),
        ],
        out_specs=pl.BlockSpec((NC, BLK, HD), lambda i: (0, i, 0)),
        out_shape=jax.ShapeDtypeStruct((NC, N, HD), jnp.float32),
    )(z, cnt, b1, W2)


def _tc3(z, cnt, b2, batch3, W_out, b_out):
    return pl.pallas_call(
        _tc3_body,
        grid=(NG,),
        in_specs=[
            pl.BlockSpec((NC, BLK, HD), lambda i: (0, i, 0)),
            pl.BlockSpec((NC, BLK, 16), lambda i: (0, i, 0)),
            pl.BlockSpec((1, D), lambda i: (0, 0)),
            pl.BlockSpec((1, 1, BLK), lambda i: (i, 0, 0)),
            pl.BlockSpec((D, OUT_DIM), lambda i: (0, 0)),
            pl.BlockSpec((1, OUT_DIM), lambda i: (0, 0)),
        ],
        out_specs=pl.BlockSpec((G, OUT_DIM), lambda i: (0, 0)),
        out_shape=jax.ShapeDtypeStruct((G, OUT_DIM), jnp.float32),
        scratch_shapes=[
            pltpu.VMEM((G, D), jnp.float32),
            pltpu.VMEM((G, D), jnp.float32),
        ],
    )(z, cnt, b2, batch3, W_out, b_out)


def kernel(x, edge_index, batch, W1, b1, W2, b2, W_out, b_out):
    src_r = edge_index[0].astype(jnp.int32).reshape(NS, NCH, CH)
    dst_r = edge_index[1].astype(jnp.int32).reshape(NS, NCH, CH)
    batch3 = batch.astype(jnp.int32).reshape(NG, 1, BLK)
    b1r = b1.reshape(1, D)
    b2r = b2.reshape(1, D)
    boutr = b_out.reshape(1, OUT_DIM)

    cnt = _deg_kernel(dst_r)
    y1 = _tc1(x, W1, cnt)
    z1 = _edge_kernel(y1, src_r, dst_r)
    y2 = _tc2(z1, cnt, b1r, W2)
    z2 = _edge_kernel(y2, src_r, dst_r)
    return _tc3(z2, cnt, b2r, batch3, W_out, boutr)

# --- scband reference (transcript-rebuilt; emitter-appended) ---
"""Pipeline reference for scband-graph-senn-16509854285827 (READ-ONLY COPY).

The authoritative reference and input builder live on the scoring server;
editing this copy changes nothing except your own understanding.
"""

import jax, jax.numpy as jnp
import numpy as np

N = 10000
E = 320000
D = 128
G = 64
OUT_DIM = 10

def setup_inputs(seed: int = 0):
    key = jax.random.key(seed)
    ks = jax.random.split(key, 9)
    x = jax.random.normal(ks[0], (N, D), dtype=jnp.float32)
    edge_index = jax.random.randint(ks[1], (2, E), 0, N)
    batch = jnp.sort(jax.random.randint(ks[2], (N,), 0, G))
    s = 1.0 / np.sqrt(D)
    W1 = jax.random.normal(ks[3], (D, D), dtype=jnp.float32) * s
    b1 = jnp.zeros((D,), dtype=jnp.float32)
    W2 = jax.random.normal(ks[4], (D, D), dtype=jnp.float32) * s
    b2 = jnp.zeros((D,), dtype=jnp.float32)
    W_out = jax.random.normal(ks[5], (D, OUT_DIM), dtype=jnp.float32) * s
    b_out = jnp.zeros((OUT_DIM,), dtype=jnp.float32)
    return {"x": x, "edge_index": edge_index, "batch": batch, "W1": W1, "b1": b1, "W2": W2, "b2": b2, "W_out": W_out, "b_out": b_out}

def _gcn_layer(x, W, b, src, dst):
    # PyG-style GCNConv: linear transform, add self-loops, symmetric normalization, scatter-add
    n = x.shape[0]
    xw = x @ W
    loop = jnp.arange(n)
    s = jnp.concatenate([src, loop])
    d = jnp.concatenate([dst, loop])
    deg = jnp.zeros((n,), xw.dtype).at[d].add(1.0)
    dinv = jax.lax.rsqrt(jnp.clip(deg, 1.0))
    norm = dinv[s] * dinv[d]
    msg = xw[s] * norm[:, None]
    agg = jnp.zeros_like(xw).at[d].add(msg)
    return agg + b

def reference(x, edge_index, batch, W1, b1, W2, b2, W_out, b_out):
    src = edge_index[0]
    dst = edge_index[1]
    h = jax.nn.relu(_gcn_layer(x, W1, b1, src, dst))
    h = _gcn_layer(h, W2, b2, src, dst)
    # global mean pool over graph ids
    counts = jnp.zeros((G,), h.dtype).at[batch].add(1.0)
    sums = jnp.zeros((G, h.shape[1]), h.dtype).at[batch].add(h)
    pooled = sums / jnp.clip(counts, 1.0)[:, None]
    logits = pooled @ W_out + b_out
    return jax.nn.log_softmax(logits, axis=-1)

if __name__ == "__main__":
    import jax
    _d = setup_inputs()
    print(jax.jit(kernel)(*tuple(_d.values())))

</pallas_src>

<mosaic_0001>
#map = affine_map<(d0, d1) -> (0, 0, 0)>
module attributes {stable_mosaic.version = 14 : i64} {
  func.func @_deg_kernel(%arg0: i32, %arg1: i32, %arg2: memref<16x80x250xi32, #tpu.memory_space<hbm>>, %arg3: memref<2x10000x16xf32, #tpu.memory_space<hbm>>, %arg4: memref<80x250xi32, #tpu.memory_space<vmem>>, %arg5: memref<250x16xf32, #tpu.memory_space<vmem>>, %arg6: memref<10000x16xf32, #tpu.memory_space<vmem_shared>>, %arg7: memref<!tpu.dma_semaphore, #tpu.memory_space<semaphore_mem>>) attributes {dimension_semantics = [#tpu.dimension_semantics<core_parallel>, #tpu.dimension_semantics<subcore_parallel>], iteration_bounds = array<i64: 2, 16>, scalar_prefetch = 0 : i64, scratch_operands = 4 : i64, tpu.core_type = #tpu.core_type<sc_vector_subcore>, window_params = [{transform_indices = #map}, {transform_indices = #map}]} {
    %mul3A = arith.constant 624 : i32
    %mul3A_0 = arith.muli %arg1, %mul3A : i32
    %eq3A = arith.constant 15 : i32
    %eq3A_1 = arith.cmpi eq, %arg1, %eq3A : i32
    %jit3A = arith.constant 40 : i32
    %jit3A_2 = arith.constant 39 : i32
    %select_n3A = arith.select %eq3A_1, %jit3A, %jit3A_2 : i32
    %broadcast_in_dim3A = arith.constant 0.000000e+00 : f32
    %broadcast_in_dim3A_3 = vector.broadcast %broadcast_in_dim3A : f32 to vector<16xf32>
    %scan3A = arith.constant 0 : i32
    %scan3A_4 = arith.constant 0 : i32
    %scan3A_5 = arith.constant 16 : i32
    %scan3A_6 = arith.addi %scan3A_4, %scan3A_5 : i32
    %scan3A_7 = arith.constant 1 : i32
    %scan3A_8 = scf.for %scan3A_59 = %scan3A_4 to %scan3A_6 step %scan3A_7 iter_args(%scan3A_60 = %scan3A) -> (i32)  : i32 {
      %swap3A = arith.index_cast %scan3A_59 : i32 to index
      %swap3A_61 = arith.constant 0 : index
      %swap3A_62 = tpu.vector_load %arg5[%swap3A, %swap3A_61] {strides = array<i32>} : memref<250x16xf32, #tpu.memory_space<vmem>>, vector<1x16xf32>,
      %swap3A_63 = vector.shape_cast %swap3A_62 : vector<1x16xf32> to vector<16xf32>
      %swap3A_64 = vector.shape_cast %broadcast_in_dim3A_3 : vector<16xf32> to vector<1x16xf32>
      tpu.vector_store %arg5[%swap3A, %swap3A_61], %swap3A_64 {strides = array<i32>} : memref<250x16xf32, #tpu.memory_space<vmem>>, vector<1x16xf32>,
      %scan3A_65 = arith.constant 0 : i32
      scf.yield %scan3A_65 : i32
    }
    %scan3A_9 = arith.constant 16 : i32
    %while3A = arith.constant 0 : i32
    %while3A_10 = arith.constant 0 : i32
    %while3A_11 = arith.subi %select_n3A, %while3A : i32
    %while3A_12 = arith.addi %while3A, %while3A_11 : i32
    %while3A_13 = arith.constant 1 : i32
    %while3A_14 = arith.divsi %while3A_11, %while3A_13 : i32
    %while3A_15 = arith.muli %while3A_14, %while3A_13 : i32
    %while3A_16 = arith.addi %while3A, %while3A_15 : i32
    %while3A_17 = arith.constant 1 : i32
    %while3A_18 = scf.for %while3A_59 = %while3A to %while3A_16 step %while3A_17 iter_args(%while3A_60 = %while3A_10) -> (i32)  : i32 {
      %mul3A_61 = arith.constant 16 : i32
      %mul3A_62 = arith.muli %while3A_59, %mul3A_61 : i32
      %add3A = arith.addi %mul3A_0, %mul3A_62 : i32
      "tpu.region"() ({
        %run_scoped3A = tpu.sem_alloc : memref<!tpu.dma_semaphore, #tpu.memory_space<semaphore_mem>>
        %dma_start3A = arith.constant 0 : i32
        %dma_start3A_64 = arith.constant 0 : i32
        %dma_start3A_65 = tpu.memref_slice %arg5[%dma_start3A, %dma_start3A_64] : memref<250x16xf32, #tpu.memory_space<vmem>> -> memref<16x16xf32, #tpu.memory_space<vmem>>
        %dma_start3A_66 = arith.constant 0 : i32
        %dma_start3A_67 = tpu.memref_slice %arg6[%add3A, %dma_start3A_66] : memref<10000x16xf32, #tpu.memory_space<vmem_shared>> -> memref<16x16xf32, #tpu.memory_space<vmem_shared>>
        %dma_start3A_68 = arith.constant 0 : i32
        %dma_start3A_69 = tpu.memref_slice %arg6[%add3A, %dma_start3A_68] : memref<10000x16xf32, #tpu.memory_space<vmem_shared>> -> memref<16x16xf32, #tpu.memory_space<vmem_shared>>
        %dma_start3A_70 = arith.constant 0 : i32
        %dma_start3A_71 = arith.constant 0 : i32
        %dma_start3A_72 = tpu.memref_slice %arg5[%dma_start3A_70, %dma_start3A_71] : memref<250x16xf32, #tpu.memory_space<vmem>> -> memref<16x16xf32, #tpu.memory_space<vmem>>
        tpu.enqueue_dma source(%dma_start3A_72 : memref<16x16xf32, #tpu.memory_space<vmem>>) target(%dma_start3A_69 : memref<16x16xf32, #tpu.memory_space<vmem_shared>>) target_semaphore(%run_scoped3A : memref<!tpu.dma_semaphore, #tpu.memory_space<semaphore_mem>>)
        %dma_wait3A = arith.constant 0 : i32
        %dma_wait3A_73 = arith.constant 0 : i32
        %dma_wait3A_74 = tpu.memref_slice %arg5[%dma_wait3A, %dma_wait3A_73] : memref<250x16xf32, #tpu.memory_space<vmem>> -> memref<16x16xf32, #tpu.memory_space<vmem>>
        %dma_wait3A_75 = arith.constant 0 : i32
        %dma_wait3A_76 = tpu.memref_slice %arg6[%add3A, %dma_wait3A_75] : memref<10000x16xf32, #tpu.memory_space<vmem_shared>> -> memref<16x16xf32, #tpu.memory_space<vmem_shared>>
        %dma_wait3A_77 = arith.constant 0 : i32
        %dma_wait3A_78 = tpu.memref_slice %arg6[%add3A, %dma_wait3A_77] : memref<10000x16xf32, #tpu.memory_space<vmem_shared>> -> memref<16x16xf32, #tpu.memory_space<vmem_shared>>
        %dma_wait3A_79 = arith.constant 0 : i32
        %dma_wait3A_80 = arith.constant 0 : i32
        %dma_wait3A_81 = tpu.memref_slice %arg5[%dma_wait3A_79, %dma_wait3A_80] : memref<250x16xf32, #tpu.memory_space<vmem>> -> memref<16x16xf32, #tpu.memory_space<vmem>>
        tpu.wait_dma2 semaphore(%run_scoped3A : memref<!tpu.dma_semaphore, #tpu.memory_space<semaphore_mem>>) src(%dma_wait3A_81 : memref<16x16xf32, #tpu.memory_space<vmem>>) dst(%dma_wait3A_78 : memref<16x16xf32, #tpu.memory_space<vmem_shared>>)
        tpu.yield
      }) : () -> ()
      %while3A_63 = arith.constant 0 : i32
      scf.yield %while3A_63 : i32
    }
    %while3A_19 = arith.constant 1 : i32
    %while3A_20 = scf.for %while3A_59 = %while3A_16 to %while3A_12 step %while3A_19 iter_args(%while3A_60 = %while3A_18) -> (i32)  : i32 {
      %mul3A_61 = arith.constant 16 : i32
      %mul3A_62 = arith.muli %while3A_59, %mul3A_61 : i32
      %add3A = arith.addi %mul3A_0, %mul3A_62 : i32
      "tpu.region"() ({
        %run_scoped3A = tpu.sem_alloc : memref<!tpu.dma_semaphore, #tpu.memory_space<semaphore_mem>>
        %dma_start3A = arith.constant 0 : i32
        %dma_start3A_64 = arith.constant 0 : i32
        %dma_start3A_65 = tpu.memref_slice %arg5[%dma_start3A, %dma_start3A_64] : memref<250x16xf32, #tpu.memory_space<vmem>> -> memref<16x16xf32, #tpu.memory_space<vmem>>
        %dma_start3A_66 = arith.constant 0 : i32
        %dma_start3A_67 = tpu.memref_slice %arg6[%add3A, %dma_start3A_66] : memref<10000x16xf32, #tpu.memory_space<vmem_shared>> -> memref<16x16xf32, #tpu.memory_space<vmem_shared>>
        %dma_start3A_68 = arith.constant 0 : i32
        %dma_start3A_69 = tpu.memref_slice %arg6[%add3A, %dma_start3A_68] : memref<10000x16xf32, #tpu.memory_space<vmem_shared>> -> memref<16x16xf32, #tpu.memory_space<vmem_shared>>
        %dma_start3A_70 = arith.constant 0 : i32
        %dma_start3A_71 = arith.constant 0 : i32
        %dma_start3A_72 = tpu.memref_slice %arg5[%dma_start3A_70, %dma_start3A_71] : memref<250x16xf32, #tpu.memory_space<vmem>> -> memref<16x16xf32, #tpu.memory_space<vmem>>
        tpu.enqueue_dma source(%dma_start3A_72 : memref<16x16xf32, #tpu.memory_space<vmem>>) target(%dma_start3A_69 : memref<16x16xf32, #tpu.memory_space<vmem_shared>>) target_semaphore(%run_scoped3A : memref<!tpu.dma_semaphore, #tpu.memory_space<semaphore_mem>>)
        %dma_wait3A = arith.constant 0 : i32
        %dma_wait3A_73 = arith.constant 0 : i32
        %dma_wait3A_74 = tpu.memref_slice %arg5[%dma_wait3A, %dma_wait3A_73] : memref<250x16xf32, #tpu.memory_space<vmem>> -> memref<16x16xf32, #tpu.memory_space<vmem>>
        %dma_wait3A_75 = arith.constant 0 : i32
        %dma_wait3A_76 = tpu.memref_slice %arg6[%add3A, %dma_wait3A_75] : memref<10000x16xf32, #tpu.memory_space<vmem_shared>> -> memref<16x16xf32, #tpu.memory_space<vmem_shared>>
        %dma_wait3A_77 = arith.constant 0 : i32
        %dma_wait3A_78 = tpu.memref_slice %arg6[%add3A, %dma_wait3A_77] : memref<10000x16xf32, #tpu.memory_space<vmem_shared>> -> memref<16x16xf32, #tpu.memory_space<vmem_shared>>
        %dma_wait3A_79 = arith.constant 0 : i32
        %dma_wait3A_80 = arith.constant 0 : i32
        %dma_wait3A_81 = tpu.memref_slice %arg5[%dma_wait3A_79, %dma_wait3A_80] : memref<250x16xf32, #tpu.memory_space<vmem>> -> memref<16x16xf32, #tpu.memory_space<vmem>>
        tpu.wait_dma2 semaphore(%run_scoped3A : memref<!tpu.dma_semaphore, #tpu.memory_space<semaphore_mem>>) src(%dma_wait3A_81 : memref<16x16xf32, #tpu.memory_space<vmem>>) dst(%dma_wait3A_78 : memref<16x16xf32, #tpu.memory_space<vmem_shared>>)
        tpu.yield
      }) : () -> ()
      %while3A_63 = arith.constant 0 : i32
      scf.yield %while3A_63 : i32
    }
    %broadcast_in_dim3A_21 = arith.constant 1.000000e+00 : f32
    %broadcast_in_dim3A_22 = vector.broadcast %broadcast_in_dim3A_21 : f32 to vector<16xf32>
    %scan3A_23 = arith.constant 0 : i32
    %scan3A_24 = arith.constant 0 : i32
    %scan3A_25 = arith.constant 250 : i32
    %scan3A_26 = arith.addi %scan3A_24, %scan3A_25 : i32
    %scan3A_27 = arith.constant 1 : i32
    %scan3A_28 = scf.for %scan3A_59 = %scan3A_24 to %scan3A_26 step %scan3A_27 iter_args(%scan3A_60 = %scan3A_23) -> (i32)  : i32 {
      %swap3A = arith.index_cast %scan3A_59 : i32 to index
      %swap3A_61 = arith.constant 0 : index
      %swap3A_62 = tpu.vector_load %arg5[%swap3A, %swap3A_61] {strides = array<i32>} : memref<250x16xf32, #tpu.memory_space<vmem>>, vector<1x16xf32>,
      %swap3A_63 = vector.shape_cast %swap3A_62 : vector<1x16xf32> to vector<16xf32>
      %swap3A_64 = vector.shape_cast %broadcast_in_dim3A_22 : vector<16xf32> to vector<1x16xf32>
      tpu.vector_store %arg5[%swap3A, %swap3A_61], %swap3A_64 {strides = array<i32>} : memref<250x16xf32, #tpu.memory_space<vmem>>, vector<1x16xf32>,
      %scan3A_65 = arith.constant 0 : i32
      scf.yield %scan3A_65 : i32
    }
    %scan3A_29 = arith.constant 250 : i32
    "tpu.region"() ({
      %run_scoped3A = tpu.sem_alloc : memref<!tpu.dma_semaphore, #tpu.memory_space<semaphore_mem>>
      %dma_start3A = arith.constant 0 : i32
      %dma_start3A_59 = arith.constant 0 : i32
      %dma_start3A_60 = tpu.memref_slice %arg2[%arg1, %dma_start3A, %dma_start3A_59] : memref<16x80x250xi32, #tpu.memory_space<hbm>> -> memref<1x80x250xi32, #tpu.memory_space<hbm>>
      %dma_start3A_61 = tpu.memref_squeeze %dma_start3A_60 : memref<1x80x250xi32, #tpu.memory_space<hbm>> -> memref<80x250xi32, #tpu.memory_space<hbm>>
      %dma_start3A_62 = arith.constant 0 : i32
      %dma_start3A_63 = arith.constant 0 : i32
      %dma_start3A_64 = tpu.memref_slice %arg2[%arg1, %dma_start3A_62, %dma_start3A_63] : memref<16x80x250xi32, #tpu.memory_space<hbm>> -> memref<1x80x250xi32, #tpu.memory_space<hbm>>
      %dma_start3A_65 = tpu.memref_squeeze %dma_start3A_64 : memref<1x80x250xi32, #tpu.memory_space<hbm>> -> memref<80x250xi32, #tpu.memory_space<hbm>>
      tpu.enqueue_dma source(%dma_start3A_65 : memref<80x250xi32, #tpu.memory_space<hbm>>) target(%arg4 : memref<80x250xi32, #tpu.memory_space<vmem>>) target_semaphore(%run_scoped3A : memref<!tpu.dma_semaphore, #tpu.memory_space<semaphore_mem>>)
      %dma_wait3A = arith.constant 0 : i32
      %dma_wait3A_66 = arith.constant 0 : i32
      %dma_wait3A_67 = tpu.memref_slice %arg2[%arg1, %dma_wait3A, %dma_wait3A_66] : memref<16x80x250xi32, #tpu.memory_space<hbm>> -> memref<1x80x250xi32, #tpu.memory_space<hbm>>
      %dma_wait3A_68 = tpu.memref_squeeze %dma_wait3A_67 : memref<1x80x250xi32, #tpu.memory_space<hbm>> -> memref<80x250xi32, #tpu.memory_space<hbm>>
      %dma_wait3A_69 = arith.constant 0 : i32
      %dma_wait3A_70 = arith.constant 0 : i32
      %dma_wait3A_71 = tpu.memref_slice %arg2[%arg1, %dma_wait3A_69, %dma_wait3A_70] : memref<16x80x250xi32, #tpu.memory_space<hbm>> -> memref<1x80x250xi32, #tpu.memory_space<hbm>>
      %dma_wait3A_72 = tpu.memref_squeeze %dma_wait3A_71 : memref<1x80x250xi32, #tpu.memory_space<hbm>> -> memref<80x250xi32, #tpu.memory_space<hbm>>
      tpu.wait_dma2 semaphore(%run_scoped3A : memref<!tpu.dma_semaphore, #tpu.memory_space<semaphore_mem>>) src(%dma_wait3A_72 : memref<80x250xi32, #tpu.memory_space<hbm>>) dst(%arg4 : memref<80x250xi32, #tpu.memory_space<vmem>>)
      tpu.yield
    }) : () -> ()
    %barrier3A = arith.constant 0 : index
    tpu.barrier barrier_id(%barrier3A)
    %mul3A_30 = arith.constant 40 : i32
    %mul3A_31 = arith.muli %arg0, %mul3A_30 : i32
    %scan3A_32 = arith.constant 0 : i32
    %scan3A_33 = arith.constant 0 : i32
    %scan3A_34 = arith.constant 40 : i32
    %scan3A_35 = arith.addi %scan3A_33, %scan3A_34 : i32
    %scan3A_36 = arith.constant 1 : i32
    %scan3A_37 = scf.for %scan3A_59 = %scan3A_33 to %scan3A_35 step %scan3A_36 iter_args(%scan3A_60 = %scan3A_32) -> (i32)  : i32 {
      %add3A = arith.addi %mul3A_31, %scan3A_59 : i32
      %dma_start3A = arith.constant 0 : i32
      %dma_start3A_61 = tpu.memref_slice %arg4[%add3A, %dma_start3A] : memref<80x250xi32, #tpu.memory_space<vmem>> -> memref<1x250xi32, #tpu.memory_space<vmem>>
      %dma_start3A_62 = tpu.memref_squeeze %dma_start3A_61 : memref<1x250xi32, #tpu.memory_space<vmem>> -> memref<250xi32, #tpu.memory_space<vmem>>
      %dma_start3A_63 = arith.constant 0 : i32
      %dma_start3A_64 = arith.constant 0 : i32
      %dma_start3A_65 = tpu.memref_slice %arg6[%dma_start3A_63, %dma_start3A_64] : memref<10000x16xf32, #tpu.memory_space<vmem_shared>> -> memref<10000x16xf32, #tpu.memory_space<vmem_shared>>
      tpu.enqueue_indirect_dma source(%arg5 : memref<250x16xf32, #tpu.memory_space<vmem>>) target(%dma_start3A_65 : memref<10000x16xf32, #tpu.memory_space<vmem_shared>>) offsets(%dma_start3A_62 : memref<250xi32, #tpu.memory_space<vmem>>) semaphore(%arg7 : memref<!tpu.dma_semaphore, #tpu.memory_space<semaphore_mem>>) {add = true}
      %scan3A_66 = arith.constant 0 : i32
      scf.yield %scan3A_66 : i32
    }
    %scan3A_38 = arith.constant 40 : i32
    %scan3A_39 = arith.constant 0 : i32
    %scan3A_40 = arith.constant 0 : i32
    %scan3A_41 = arith.constant 40 : i32
    %scan3A_42 = arith.addi %scan3A_40, %scan3A_41 : i32
    %scan3A_43 = arith.constant 1 : i32
    %scan3A_44 = scf.for %scan3A_59 = %scan3A_40 to %scan3A_42 step %scan3A_43 iter_args(%scan3A_60 = %scan3A_39) -> (i32)  : i32 {
      %add3A = arith.addi %mul3A_31, %scan3A_59 : i32
      %dma_wait3A = arith.constant 0 : i32
      %dma_wait3A_61 = tpu.memref_slice %arg4[%add3A, %dma_wait3A] : memref<80x250xi32, #tpu.memory_space<vmem>> -> memref<1x250xi32, #tpu.memory_space<vmem>>
      %dma_wait3A_62 = tpu.memref_squeeze %dma_wait3A_61 : memref<1x250xi32, #tpu.memory_space<vmem>> -> memref<250xi32, #tpu.memory_space<vmem>>
      %dma_wait3A_63 = arith.constant 0 : i32
      %dma_wait3A_64 = arith.constant 0 : i32
      %dma_wait3A_65 = tpu.memref_slice %arg6[%dma_wait3A_63, %dma_wait3A_64] : memref<10000x16xf32, #tpu.memory_space<vmem_shared>> -> memref<10000x16xf32, #tpu.memory_space<vmem_shared>>
      tpu.wait_indirect_dma semaphore(%arg7 : memref<!tpu.dma_semaphore, #tpu.memory_space<semaphore_mem>>) src(%arg5 : memref<250x16xf32, #tpu.memory_space<vmem>>) dst(%dma_wait3A_65 : memref<10000x16xf32, #tpu.memory_space<vmem_shared>>)
      %scan3A_66 = arith.constant 0 : i32
      scf.yield %scan3A_66 : i32
    }
    %scan3A_45 = arith.constant 40 : i32
    %barrier3A_46 = arith.constant 0 : index
    tpu.barrier barrier_id(%barrier3A_46)
    %while3A_47 = arith.constant 0 : i32
    %while3A_48 = arith.constant 0 : i32
    %while3A_49 = arith.subi %select_n3A, %while3A_47 : i32
    %while3A_50 = arith.addi %while3A_47, %while3A_49 : i32
    %while3A_51 = arith.constant 1 : i32
    %while3A_52 = arith.divsi %while3A_49, %while3A_51 : i32
    %while3A_53 = arith.muli %while3A_52, %while3A_51 : i32
    %while3A_54 = arith.addi %while3A_47, %while3A_53 : i32
    %while3A_55 = arith.constant 1 : i32
    %while3A_56 = scf.for %while3A_59 = %while3A_47 to %while3A_54 step %while3A_55 iter_args(%while3A_60 = %while3A_48) -> (i32)  : i32 {
      %mul3A_61 = arith.constant 16 : i32
      %mul3A_62 = arith.muli %while3A_59, %mul3A_61 : i32
      %add3A = arith.addi %mul3A_0, %mul3A_62 : i32
      "tpu.region"() ({
        %run_scoped3A = tpu.sem_alloc : memref<!tpu.dma_semaphore, #tpu.memory_space<semaphore_mem>>
        %dma_start3A = arith.constant 0 : i32
        %dma_start3A_64 = tpu.memref_slice %arg3[%arg0, %add3A, %dma_start3A] : memref<2x10000x16xf32, #tpu.memory_space<hbm>> -> memref<1x16x16xf32, #tpu.memory_space<hbm>>
        %dma_start3A_65 = tpu.memref_squeeze %dma_start3A_64 : memref<1x16x16xf32, #tpu.memory_space<hbm>> -> memref<16x16xf32, #tpu.memory_space<hbm>>
        %dma_start3A_66 = arith.constant 0 : i32
        %dma_start3A_67 = tpu.memref_slice %arg6[%add3A, %dma_start3A_66] : memref<10000x16xf32, #tpu.memory_space<vmem_shared>> -> memref<16x16xf32, #tpu.memory_space<vmem_shared>>
        tpu.enqueue_dma source(%dma_start3A_67 : memref<16x16xf32, #tpu.memory_space<vmem_shared>>) target(%dma_start3A_65 : memref<16x16xf32, #tpu.memory_space<hbm>>) target_semaphore(%run_scoped3A : memref<!tpu.dma_semaphore, #tpu.memory_space<semaphore_mem>>)
        %dma_wait3A = arith.constant 0 : i32
        %dma_wait3A_68 = tpu.memref_slice %arg3[%arg0, %add3A, %dma_wait3A] : memref<2x10000x16xf32, #tpu.memory_space<hbm>> -> memref<1x16x16xf32, #tpu.memory_space<hbm>>
        %dma_wait3A_69 = tpu.memref_squeeze %dma_wait3A_68 : memref<1x16x16xf32, #tpu.memory_space<hbm>> -> memref<16x16xf32, #tpu.memory_space<hbm>>
        %dma_wait3A_70 = arith.constant 0 : i32
        %dma_wait3A_71 = tpu.memref_slice %arg6[%add3A, %dma_wait3A_70] : memref<10000x16xf32, #tpu.memory_space<vmem_shared>> -> memref<16x16xf32, #tpu.memory_space<vmem_shared>>
        tpu.wait_dma2 semaphore(%run_scoped3A : memref<!tpu.dma_semaphore, #tpu.memory_space<semaphore_mem>>) src(%dma_wait3A_71 : memref<16x16xf32, #tpu.memory_space<vmem_shared>>) dst(%dma_wait3A_69 : memref<16x16xf32, #tpu.memory_space<hbm>>)
        tpu.yield
      }) : () -> ()
      %while3A_63 = arith.constant 0 : i32
      scf.yield %while3A_63 : i32
    }
    %while3A_57 = arith.constant 1 : i32
    %while3A_58 = scf.for %while3A_59 = %while3A_54 to %while3A_50 step %while3A_57 iter_args(%while3A_60 = %while3A_56) -> (i32)  : i32 {
      %mul3A_61 = arith.constant 16 : i32
      %mul3A_62 = arith.muli %while3A_59, %mul3A_61 : i32
      %add3A = arith.addi %mul3A_0, %mul3A_62 : i32
      "tpu.region"() ({
        %run_scoped3A = tpu.sem_alloc : memref<!tpu.dma_semaphore, #tpu.memory_space<semaphore_mem>>
        %dma_start3A = arith.constant 0 : i32
        %dma_start3A_64 = tpu.memref_slice %arg3[%arg0, %add3A, %dma_start3A] : memref<2x10000x16xf32, #tpu.memory_space<hbm>> -> memref<1x16x16xf32, #tpu.memory_space<hbm>>
        %dma_start3A_65 = tpu.memref_squeeze %dma_start3A_64 : memref<1x16x16xf32, #tpu.memory_space<hbm>> -> memref<16x16xf32, #tpu.memory_space<hbm>>
        %dma_start3A_66 = arith.constant 0 : i32
        %dma_start3A_67 = tpu.memref_slice %arg6[%add3A, %dma_start3A_66] : memref<10000x16xf32, #tpu.memory_space<vmem_shared>> -> memref<16x16xf32, #tpu.memory_space<vmem_shared>>
        tpu.enqueue_dma source(%dma_start3A_67 : memref<16x16xf32, #tpu.memory_space<vmem_shared>>) target(%dma_start3A_65 : memref<16x16xf32, #tpu.memory_space<hbm>>) target_semaphore(%run_scoped3A : memref<!tpu.dma_semaphore, #tpu.memory_space<semaphore_mem>>)
        %dma_wait3A = arith.constant 0 : i32
        %dma_wait3A_68 = tpu.memref_slice %arg3[%arg0, %add3A, %dma_wait3A] : memref<2x10000x16xf32, #tpu.memory_space<hbm>> -> memref<1x16x16xf32, #tpu.memory_space<hbm>>
        %dma_wait3A_69 = tpu.memref_squeeze %dma_wait3A_68 : memref<1x16x16xf32, #tpu.memory_space<hbm>> -> memref<16x16xf32, #tpu.memory_space<hbm>>
        %dma_wait3A_70 = arith.constant 0 : i32
        %dma_wait3A_71 = tpu.memref_slice %arg6[%add3A, %dma_wait3A_70] : memref<10000x16xf32, #tpu.memory_space<vmem_shared>> -> memref<16x16xf32, #tpu.memory_space<vmem_shared>>
        tpu.wait_dma2 semaphore(%run_scoped3A : memref<!tpu.dma_semaphore, #tpu.memory_space<semaphore_mem>>) src(%dma_wait3A_71 : memref<16x16xf32, #tpu.memory_space<vmem_shared>>) dst(%dma_wait3A_69 : memref<16x16xf32, #tpu.memory_space<hbm>>)
        tpu.yield
      }) : () -> ()
      %while3A_63 = arith.constant 0 : i32
      scf.yield %while3A_63 : i32
    }
    return
  }
}

#map = affine_map<(d0, d1) -> (0, 0, 0)>
module attributes {stable_mosaic.version = 14 : i64} {
  func.func @_edge_kernel(%arg0: i32, %arg1: i32, %arg2: memref<2x10000x64xf32, #tpu.memory_space<hbm>>, %arg3: memref<16x80x250xi32, #tpu.memory_space<hbm>>, %arg4: memref<16x80x250xi32, #tpu.memory_space<hbm>>, %arg5: memref<2x10000x64xf32, #tpu.memory_space<hbm>>, %arg6: memref<80x250xi32, #tpu.memory_space<vmem>>, %arg7: memref<80x250xi32, #tpu.memory_space<vmem>>, %arg8: memref<2x250x64xf32, #tpu.memory_space<vmem>>, %arg9: memref<10000x64xf32, #tpu.memory_space<vmem_shared>>, %arg10: memref<!tpu.dma_semaphore, #tpu.memory_space<semaphore_mem>>, %arg11: memref<!tpu.dma_semaphore, #tpu.memory_space<semaphore_mem>>, %arg12: memref<!tpu.dma_semaphore, #tpu.memory_space<semaphore_mem>>, %arg13: memref<!tpu.dma_semaphore, #tpu.memory_space<semaphore_mem>>) attributes {dimension_semantics = [#tpu.dimension_semantics<core_parallel>, #tpu.dimension_semantics<subcore_parallel>], iteration_bounds = array<i64: 2, 16>, scalar_prefetch = 0 : i64, scratch_operands = 8 : i64, tpu.core_type = #tpu.core_type<sc_vector_subcore>, window_params = [{transform_indices = #map}, {transform_indices = #map}, {transform_indices = #map}, {transform_indices = #map}]} {
    %mul3A = arith.constant 624 : i32
    %mul3A_0 = arith.muli %arg1, %mul3A : i32
    %lt3A = arith.constant 15 : i32
    %lt3A_1 = arith.cmpi slt, %arg1, %lt3A : i32
    %convert_element_type3A = arith.extui %lt3A_1 : i1 to i32
    %cond3A = arith.constant 0 : i32
    %cond3A_2 = arith.cmpi ne, %convert_element_type3A, %cond3A : i32
    scf.if %cond3A_2 {
      "tpu.region"() ({
        %run_scoped3A = tpu.sem_alloc : memref<!tpu.dma_semaphore, #tpu.memory_space<semaphore_mem>>
        %dma_start3A_39 = arith.constant 0 : i32
        %dma_start3A_40 = tpu.memref_slice %arg9[%mul3A_0, %dma_start3A_39] : memref<10000x64xf32, #tpu.memory_space<vmem_shared>> -> memref<624x64xf32, #tpu.memory_space<vmem_shared>>
        %dma_start3A_41 = arith.constant 0 : i32
        %dma_start3A_42 = arith.constant 0 : i32
        %dma_start3A_43 = tpu.memref_slice %arg2[%arg0, %dma_start3A_41, %dma_start3A_42] : memref<2x10000x64xf32, #tpu.memory_space<hbm>> -> memref<1x10000x64xf32, #tpu.memory_space<hbm>>
        %dma_start3A_44 = tpu.memref_squeeze %dma_start3A_43 : memref<1x10000x64xf32, #tpu.memory_space<hbm>> -> memref<10000x64xf32, #tpu.memory_space<hbm>>
        %dma_start3A_45 = arith.constant 0 : i32
        %dma_start3A_46 = tpu.memref_slice %dma_start3A_44[%mul3A_0, %dma_start3A_45] : memref<10000x64xf32, #tpu.memory_space<hbm>> -> memref<624x64xf32, #tpu.memory_space<hbm>>
        tpu.enqueue_dma source(%dma_start3A_46 : memref<624x64xf32, #tpu.memory_space<hbm>>) target(%dma_start3A_40 : memref<624x64xf32, #tpu.memory_space<vmem_shared>>) target_semaphore(%run_scoped3A : memref<!tpu.dma_semaphore, #tpu.memory_space<semaphore_mem>>)
        %dma_wait3A = arith.constant 0 : i32
        %dma_wait3A_47 = tpu.memref_slice %arg9[%mul3A_0, %dma_wait3A] : memref<10000x64xf32, #tpu.memory_space<vmem_shared>> -> memref<624x64xf32, #tpu.memory_space<vmem_shared>>
        %dma_wait3A_48 = arith.constant 0 : i32
        %dma_wait3A_49 = arith.constant 0 : i32
        %dma_wait3A_50 = tpu.memref_slice %arg2[%arg0, %dma_wait3A_48, %dma_wait3A_49] : memref<2x10000x64xf32, #tpu.memory_space<hbm>> -> memref<1x10000x64xf32, #tpu.memory_space<hbm>>
        %dma_wait3A_51 = tpu.memref_squeeze %dma_wait3A_50 : memref<1x10000x64xf32, #tpu.memory_space<hbm>> -> memref<10000x64xf32, #tpu.memory_space<hbm>>
        %dma_wait3A_52 = arith.constant 0 : i32
        %dma_wait3A_53 = tpu.memref_slice %dma_wait3A_51[%mul3A_0, %dma_wait3A_52] : memref<10000x64xf32, #tpu.memory_space<hbm>> -> memref<624x64xf32, #tpu.memory_space<hbm>>
        tpu.wait_dma2 semaphore(%run_scoped3A : memref<!tpu.dma_semaphore, #tpu.memory_space<semaphore_mem>>) src(%dma_wait3A_53 : memref<624x64xf32, #tpu.memory_space<hbm>>) dst(%dma_wait3A_47 : memref<624x64xf32, #tpu.memory_space<vmem_shared>>)
        tpu.yield
      }) : () -> ()
    } else {
    }
    %eq3A = arith.constant 15 : i32
    %eq3A_3 = arith.cmpi eq, %arg1, %eq3A : i32
    %convert_element_type3A_4 = arith.extui %eq3A_3 : i1 to i32
    %cond3A_5 = arith.constant 0 : i32
    %cond3A_6 = arith.cmpi ne, %convert_element_type3A_4, %cond3A_5 : i32
    scf.if %cond3A_6 {
      "tpu.region"() ({
        %run_scoped3A = tpu.sem_alloc : memref<!tpu.dma_semaphore, #tpu.memory_space<semaphore_mem>>
        %dma_start3A_39 = arith.constant 9360 : i32
        %dma_start3A_40 = arith.constant 0 : i32
        %dma_start3A_41 = tpu.memref_slice %arg9[%dma_start3A_39, %dma_start3A_40] : memref<10000x64xf32, #tpu.memory_space<vmem_shared>> -> memref<640x64xf32, #tpu.memory_space<vmem_shared>>
        %dma_start3A_42 = arith.constant 0 : i32
        %dma_start3A_43 = arith.constant 0 : i32
        %dma_start3A_44 = tpu.memref_slice %arg2[%arg0, %dma_start3A_42, %dma_start3A_43] : memref<2x10000x64xf32, #tpu.memory_space<hbm>> -> memref<1x10000x64xf32, #tpu.memory_space<hbm>>
        %dma_start3A_45 = tpu.memref_squeeze %dma_start3A_44 : memref<1x10000x64xf32, #tpu.memory_space<hbm>> -> memref<10000x64xf32, #tpu.memory_space<hbm>>
        %dma_start3A_46 = arith.constant 9360 : i32
        %dma_start3A_47 = arith.constant 0 : i32
        %dma_start3A_48 = tpu.memref_slice %dma_start3A_45[%dma_start3A_46, %dma_start3A_47] : memref<10000x64xf32, #tpu.memory_space<hbm>> -> memref<640x64xf32, #tpu.memory_space<hbm>>
        tpu.enqueue_dma source(%dma_start3A_48 : memref<640x64xf32, #tpu.memory_space<hbm>>) target(%dma_start3A_41 : memref<640x64xf32, #tpu.memory_space<vmem_shared>>) target_semaphore(%run_scoped3A : memref<!tpu.dma_semaphore, #tpu.memory_space<semaphore_mem>>)
        %dma_wait3A = arith.constant 9360 : i32
        %dma_wait3A_49 = arith.constant 0 : i32
        %dma_wait3A_50 = tpu.memref_slice %arg9[%dma_wait3A, %dma_wait3A_49] : memref<10000x64xf32, #tpu.memory_space<vmem_shared>> -> memref<640x64xf32, #tpu.memory_space<vmem_shared>>
        %dma_wait3A_51 = arith.constant 0 : i32
        %dma_wait3A_52 = arith.constant 0 : i32
        %dma_wait3A_53 = tpu.memref_slice %arg2[%arg0, %dma_wait3A_51, %dma_wait3A_52] : memref<2x10000x64xf32, #tpu.memory_space<hbm>> -> memref<1x10000x64xf32, #tpu.memory_space<hbm>>
        %dma_wait3A_54 = tpu.memref_squeeze %dma_wait3A_53 : memref<1x10000x64xf32, #tpu.memory_space<hbm>> -> memref<10000x64xf32, #tpu.memory_space<hbm>>
        %dma_wait3A_55 = arith.constant 9360 : i32
        %dma_wait3A_56 = arith.constant 0 : i32
        %dma_wait3A_57 = tpu.memref_slice %dma_wait3A_54[%dma_wait3A_55, %dma_wait3A_56] : memref<10000x64xf32, #tpu.memory_space<hbm>> -> memref<640x64xf32, #tpu.memory_space<hbm>>
        tpu.wait_dma2 semaphore(%run_scoped3A : memref<!tpu.dma_semaphore, #tpu.memory_space<semaphore_mem>>) src(%dma_wait3A_57 : memref<640x64xf32, #tpu.memory_space<hbm>>) dst(%dma_wait3A_50 : memref<640x64xf32, #tpu.memory_space<vmem_shared>>)
        tpu.yield
      }) : () -> ()
    } else {
    }
    "tpu.region"() ({
      %run_scoped3A = tpu.sem_alloc : memref<!tpu.dma_semaphore, #tpu.memory_space<semaphore_mem>>
      %dma_start3A_39 = arith.constant 0 : i32
      %dma_start3A_40 = arith.constant 0 : i32
      %dma_start3A_41 = tpu.memref_slice %arg3[%arg1, %dma_start3A_39, %dma_start3A_40] : memref<16x80x250xi32, #tpu.memory_space<hbm>> -> memref<1x80x250xi32, #tpu.memory_space<hbm>>
      %dma_start3A_42 = tpu.memref_squeeze %dma_start3A_41 : memref<1x80x250xi32, #tpu.memory_space<hbm>> -> memref<80x250xi32, #tpu.memory_space<hbm>>
      %dma_start3A_43 = arith.constant 0 : i32
      %dma_start3A_44 = arith.constant 0 : i32
      %dma_start3A_45 = tpu.memref_slice %arg3[%arg1, %dma_start3A_43, %dma_start3A_44] : memref<16x80x250xi32, #tpu.memory_space<hbm>> -> memref<1x80x250xi32, #tpu.memory_space<hbm>>
      %dma_start3A_46 = tpu.memref_squeeze %dma_start3A_45 : memref<1x80x250xi32, #tpu.memory_space<hbm>> -> memref<80x250xi32, #tpu.memory_space<hbm>>
      tpu.enqueue_dma source(%dma_start3A_46 : memref<80x250xi32, #tpu.memory_space<hbm>>) target(%arg6 : memref<80x250xi32, #tpu.memory_space<vmem>>) target_semaphore(%run_scoped3A : memref<!tpu.dma_semaphore, #tpu.memory_space<semaphore_mem>>)
      %dma_wait3A = arith.constant 0 : i32
      %dma_wait3A_47 = arith.constant 0 : i32
      %dma_wait3A_48 = tpu.memref_slice %arg3[%arg1, %dma_wait3A, %dma_wait3A_47] : memref<16x80x250xi32, #tpu.memory_space<hbm>> -> memref<1x80x250xi32, #tpu.memory_space<hbm>>
      %dma_wait3A_49 = tpu.memref_squeeze %dma_wait3A_48 : memref<1x80x250xi32, #tpu.memory_space<hbm>> -> memref<80x250xi32, #tpu.memory_space<hbm>>
      %dma_wait3A_50 = arith.constant 0 : i32
      %dma_wait3A_51 = arith.constant 0 : i32
      %dma_wait3A_52 = tpu.memref_slice %arg3[%arg1, %dma_wait3A_50, %dma_wait3A_51] : memref<16x80x250xi32, #tpu.memory_space<hbm>> -> memref<1x80x250xi32, #tpu.memory_space<hbm>>
      %dma_wait3A_53 = tpu.memref_squeeze %dma_wait3A_52 : memref<1x80x250xi32, #tpu.memory_space<hbm>> -> memref<80x250xi32, #tpu.memory_space<hbm>>
      tpu.wait_dma2 semaphore(%run_scoped3A : memref<!tpu.dma_semaphore, #tpu.memory_space<semaphore_mem>>) src(%dma_wait3A_53 : memref<80x250xi32, #tpu.memory_space<hbm>>) dst(%arg6 : memref<80x250xi32, #tpu.memory_space<vmem>>)
      tpu.yield
    }) : () -> ()
    "tpu.region"() ({
      %run_scoped3A = tpu.sem_alloc : memref<!tpu.dma_semaphore, #tpu.memory_space<semaphore_mem>>
      %dma_start3A_39 = arith.constant 0 : i32
      %dma_start3A_40 = arith.constant 0 : i32
      %dma_start3A_41 = tpu.memref_slice %arg4[%arg1, %dma_start3A_39, %dma_start3A_40] : memref<16x80x250xi32, #tpu.memory_space<hbm>> -> memref<1x80x250xi32, #tpu.memory_space<hbm>>
      %dma_start3A_42 = tpu.memref_squeeze %dma_start3A_41 : memref<1x80x250xi32, #tpu.memory_space<hbm>> -> memref<80x250xi32, #tpu.memory_space<hbm>>
      %dma_start3A_43 = arith.constant 0 : i32
      %dma_start3A_44 = arith.constant 0 : i32
      %dma_start3A_45 = tpu.memref_slice %arg4[%arg1, %dma_start3A_43, %dma_start3A_44] : memref<16x80x250xi32, #tpu.memory_space<hbm>> -> memref<1x80x250xi32, #tpu.memory_space<hbm>>
      %dma_start3A_46 = tpu.memref_squeeze %dma_start3A_45 : memref<1x80x250xi32, #tpu.memory_space<hbm>> -> memref<80x250xi32, #tpu.memory_space<hbm>>
      tpu.enqueue_dma source(%dma_start3A_46 : memref<80x250xi32, #tpu.memory_space<hbm>>) target(%arg7 : memref<80x250xi32, #tpu.memory_space<vmem>>) target_semaphore(%run_scoped3A : memref<!tpu.dma_semaphore, #tpu.memory_space<semaphore_mem>>)
      %dma_wait3A = arith.constant 0 : i32
      %dma_wait3A_47 = arith.constant 0 : i32
      %dma_wait3A_48 = tpu.memref_slice %arg4[%arg1, %dma_wait3A, %dma_wait3A_47] : memref<16x80x250xi32, #tpu.memory_space<hbm>> -> memref<1x80x250xi32, #tpu.memory_space<hbm>>
      %dma_wait3A_49 = tpu.memref_squeeze %dma_wait3A_48 : memref<1x80x250xi32, #tpu.memory_space<hbm>> -> memref<80x250xi32, #tpu.memory_space<hbm>>
      %dma_wait3A_50 = arith.constant 0 : i32
      %dma_wait3A_51 = arith.constant 0 : i32
      %dma_wait3A_52 = tpu.memref_slice %arg4[%arg1, %dma_wait3A_50, %dma_wait3A_51] : memref<16x80x250xi32, #tpu.memory_space<hbm>> -> memref<1x80x250xi32, #tpu.memory_space<hbm>>
      %dma_wait3A_53 = tpu.memref_squeeze %dma_wait3A_52 : memref<1x80x250xi32, #tpu.memory_space<hbm>> -> memref<80x250xi32, #tpu.memory_space<hbm>>
      tpu.wait_dma2 semaphore(%run_scoped3A : memref<!tpu.dma_semaphore, #tpu.memory_space<semaphore_mem>>) src(%dma_wait3A_53 : memref<80x250xi32, #tpu.memory_space<hbm>>) dst(%arg7 : memref<80x250xi32, #tpu.memory_space<vmem>>)
      tpu.yield
    }) : () -> ()
    %barrier3A = arith.constant 0 : index
    tpu.barrier barrier_id(%barrier3A)
    %dma_start3A = arith.constant 0 : i32
    %dma_start3A_7 = arith.constant 0 : i32
    %dma_start3A_8 = arith.constant 0 : i32
    %dma_start3A_9 = arith.constant 0 : i32
    %dma_start3A_10 = tpu.memref_slice %arg8[%dma_start3A_7, %dma_start3A_8, %dma_start3A_9] : memref<2x250x64xf32, #tpu.memory_space<vmem>> -> memref<1x250x64xf32, #tpu.memory_space<vmem>>
    %dma_start3A_11 = tpu.memref_squeeze %dma_start3A_10 : memref<1x250x64xf32, #tpu.memory_space<vmem>> -> memref<250x64xf32, #tpu.memory_space<vmem>>
    %dma_start3A_12 = arith.constant 0 : i32
    %dma_start3A_13 = tpu.memref_slice %arg6[%dma_start3A, %dma_start3A_12] : memref<80x250xi32, #tpu.memory_space<vmem>> -> memref<1x250xi32, #tpu.memory_space<vmem>>
    %dma_start3A_14 = tpu.memref_squeeze %dma_start3A_13 : memref<1x250xi32, #tpu.memory_space<vmem>> -> memref<250xi32, #tpu.memory_space<vmem>>
    %dma_start3A_15 = arith.constant 0 : i32
    %dma_start3A_16 = arith.constant 0 : i32
    %dma_start3A_17 = tpu.memref_slice %arg2[%arg0, %dma_start3A_15, %dma_start3A_16] : memref<2x10000x64xf32, #tpu.memory_space<hbm>> -> memref<1x10000x64xf32, #tpu.memory_space<hbm>>
    %dma_start3A_18 = tpu.memref_squeeze %dma_start3A_17 : memref<1x10000x64xf32, #tpu.memory_space<hbm>> -> memref<10000x64xf32, #tpu.memory_space<hbm>>
    %dma_start3A_19 = arith.constant 0 : i32
    %dma_start3A_20 = arith.constant 0 : i32
    %dma_start3A_21 = tpu.memref_slice %dma_start3A_18[%dma_start3A_19, %dma_start3A_20] : memref<10000x64xf32, #tpu.memory_space<hbm>> -> memref<10000x64xf32, #tpu.memory_space<hbm>>
    tpu.enqueue_indirect_dma source(%dma_start3A_21 : memref<10000x64xf32, #tpu.memory_space<hbm>>) target(%dma_start3A_11 : memref<250x64xf32, #tpu.memory_space<vmem>>) offsets(%dma_start3A_14 : memref<250xi32, #tpu.memory_space<vmem>>) semaphore(%arg10 : memref<!tpu.dma_semaphore, #tpu.memory_space<semaphore_mem>>)
    %scan3A = arith.constant 0 : i32
    %scan3A_22 = arith.constant 0 : i32
    %scan3A_23 = arith.constant 40 : i32
    %scan3A_24 = arith.addi %scan3A_22, %scan3A_23 : i32
    %scan3A_25 = arith.constant 1 : i32
    %scan3A_26 = scf.for %scan3A_39 = %scan3A_22 to %scan3A_24 step %scan3A_25 iter_args(%scan3A_40 = %scan3A) -> (i32)  : i32 {
      %mul3A_41 = arith.constant 2 : i32
      %mul3A_42 = arith.muli %mul3A_41, %scan3A_39 : i32
      %add3A = arith.constant 1 : i32
      %add3A_43 = arith.addi %mul3A_42, %add3A : i32
      %dma_start3A_44 = arith.constant 1 : i32
      %dma_start3A_45 = arith.constant 0 : i32
      %dma_start3A_46 = arith.constant 0 : i32
      %dma_start3A_47 = tpu.memref_slice %arg8[%dma_start3A_44, %dma_start3A_45, %dma_start3A_46] : memref<2x250x64xf32, #tpu.memory_space<vmem>> -> memref<1x250x64xf32, #tpu.memory_space<vmem>>
      %dma_start3A_48 = tpu.memref_squeeze %dma_start3A_47 : memref<1x250x64xf32, #tpu.memory_space<vmem>> -> memref<250x64xf32, #tpu.memory_space<vmem>>
      %dma_start3A_49 = arith.constant 0 : i32
      %dma_start3A_50 = tpu.memref_slice %arg6[%add3A_43, %dma_start3A_49] : memref<80x250xi32, #tpu.memory_space<vmem>> -> memref<1x250xi32, #tpu.memory_space<vmem>>
      %dma_start3A_51 = tpu.memref_squeeze %dma_start3A_50 : memref<1x250xi32, #tpu.memory_space<vmem>> -> memref<250xi32, #tpu.memory_space<vmem>>
      %dma_start3A_52 = arith.constant 0 : i32
      %dma_start3A_53 = arith.constant 0 : i32
      %dma_start3A_54 = tpu.memref_slice %arg2[%arg0, %dma_start3A_52, %dma_start3A_53] : memref<2x10000x64xf32, #tpu.memory_space<hbm>> -> memref<1x10000x64xf32, #tpu.memory_space<hbm>>
      %dma_start3A_55 = tpu.memref_squeeze %dma_start3A_54 : memref<1x10000x64xf32, #tpu.memory_space<hbm>> -> memref<10000x64xf32, #tpu.memory_space<hbm>>
      %dma_start3A_56 = arith.constant 0 : i32
      %dma_start3A_57 = arith.constant 0 : i32
      %dma_start3A_58 = tpu.memref_slice %dma_start3A_55[%dma_start3A_56, %dma_start3A_57] : memref<10000x64xf32, #tpu.memory_space<hbm>> -> memref<10000x64xf32, #tpu.memory_space<hbm>>
      tpu.enqueue_indirect_dma source(%dma_start3A_58 : memref<10000x64xf32, #tpu.memory_space<hbm>>) target(%dma_start3A_48 : memref<250x64xf32, #tpu.memory_space<vmem>>) offsets(%dma_start3A_51 : memref<250xi32, #tpu.memory_space<vmem>>) semaphore(%arg11 : memref<!tpu.dma_semaphore, #tpu.memory_space<semaphore_mem>>)
      %dma_wait3A = arith.constant 0 : i32
      %dma_wait3A_59 = arith.constant 0 : i32
      %dma_wait3A_60 = arith.constant 0 : i32
      %dma_wait3A_61 = tpu.memref_slice %arg8[%dma_wait3A, %dma_wait3A_59, %dma_wait3A_60] : memref<2x250x64xf32, #tpu.memory_space<vmem>> -> memref<1x250x64xf32, #tpu.memory_space<vmem>>
      %dma_wait3A_62 = tpu.memref_squeeze %dma_wait3A_61 : memref<1x250x64xf32, #tpu.memory_space<vmem>> -> memref<250x64xf32, #tpu.memory_space<vmem>>
      %dma_wait3A_63 = arith.constant 0 : i32
      %dma_wait3A_64 = tpu.memref_slice %arg6[%mul3A_42, %dma_wait3A_63] : memref<80x250xi32, #tpu.memory_space<vmem>> -> memref<1x250xi32, #tpu.memory_space<vmem>>
      %dma_wait3A_65 = tpu.memref_squeeze %dma_wait3A_64 : memref<1x250xi32, #tpu.memory_space<vmem>> -> memref<250xi32, #tpu.memory_space<vmem>>
      %dma_wait3A_66 = arith.constant 0 : i32
      %dma_wait3A_67 = arith.constant 0 : i32
      %dma_wait3A_68 = tpu.memref_slice %arg2[%arg0, %dma_wait3A_66, %dma_wait3A_67] : memref<2x10000x64xf32, #tpu.memory_space<hbm>> -> memref<1x10000x64xf32, #tpu.memory_space<hbm>>
      %dma_wait3A_69 = tpu.memref_squeeze %dma_wait3A_68 : memref<1x10000x64xf32, #tpu.memory_space<hbm>> -> memref<10000x64xf32, #tpu.memory_space<hbm>>
      %dma_wait3A_70 = arith.constant 0 : i32
      %dma_wait3A_71 = arith.constant 0 : i32
      %dma_wait3A_72 = tpu.memref_slice %dma_wait3A_69[%dma_wait3A_70, %dma_wait3A_71] : memref<10000x64xf32, #tpu.memory_space<hbm>> -> memref<10000x64xf32, #tpu.memory_space<hbm>>
      tpu.wait_indirect_dma semaphore(%arg10 : memref<!tpu.dma_semaphore, #tpu.memory_space<semaphore_mem>>) src(%dma_wait3A_72 : memref<10000x64xf32, #tpu.memory_space<hbm>>) dst(%dma_wait3A_62 : memref<250x64xf32, #tpu.memory_space<vmem>>)
      %run_scoped3A = arith.constant 0 : i32
      "tpu.region"() ({
        %run_scoped3A_95 = tpu.sem_alloc : memref<!tpu.dma_semaphore, #tpu.memory_space<semaphore_mem>>
        %dma_start3A_96 = arith.constant 0 : i32
        %dma_start3A_97 = arith.constant 0 : i32
        %dma_start3A_98 = tpu.memref_slice %arg8[%run_scoped3A, %dma_start3A_96, %dma_start3A_97] : memref<2x250x64xf32, #tpu.memory_space<vmem>> -> memref<1x250x64xf32, #tpu.memory_space<vmem>>
        %dma_start3A_99 = tpu.memref_squeeze %dma_start3A_98 : memref<1x250x64xf32, #tpu.memory_space<vmem>> -> memref<250x64xf32, #tpu.memory_space<vmem>>
        %dma_start3A_100 = arith.constant 0 : i32
        %dma_start3A_101 = tpu.memref_slice %arg7[%mul3A_42, %dma_start3A_100] : memref<80x250xi32, #tpu.memory_space<vmem>> -> memref<1x250xi32, #tpu.memory_space<vmem>>
        %dma_start3A_102 = tpu.memref_squeeze %dma_start3A_101 : memref<1x250xi32, #tpu.memory_space<vmem>> -> memref<250xi32, #tpu.memory_space<vmem>>
        %dma_start3A_103 = arith.constant 0 : i32
        %dma_start3A_104 = arith.constant 0 : i32
        %dma_start3A_105 = tpu.memref_slice %arg9[%dma_start3A_103, %dma_start3A_104] : memref<10000x64xf32, #tpu.memory_space<vmem_shared>> -> memref<10000x64xf32, #tpu.memory_space<vmem_shared>>
        tpu.enqueue_indirect_dma source(%dma_start3A_99 : memref<250x64xf32, #tpu.memory_space<vmem>>) target(%dma_start3A_105 : memref<10000x64xf32, #tpu.memory_space<vmem_shared>>) offsets(%dma_start3A_102 : memref<250xi32, #tpu.memory_space<vmem>>) semaphore(%run_scoped3A_95 : memref<!tpu.dma_semaphore, #tpu.memory_space<semaphore_mem>>) {add = true}
        %dma_wait3A_106 = arith.constant 0 : i32
        %dma_wait3A_107 = arith.constant 0 : i32
        %dma_wait3A_108 = tpu.memref_slice %arg8[%run_scoped3A, %dma_wait3A_106, %dma_wait3A_107] : memref<2x250x64xf32, #tpu.memory_space<vmem>> -> memref<1x250x64xf32, #tpu.memory_space<vmem>>
        %dma_wait3A_109 = tpu.memref_squeeze %dma_wait3A_108 : memref<1x250x64xf32, #tpu.memory_space<vmem>> -> memref<250x64xf32, #tpu.memory_space<vmem>>
        %dma_wait3A_110 = arith.constant 0 : i32
        %dma_wait3A_111 = tpu.memref_slice %arg7[%mul3A_42, %dma_wait3A_110] : memref<80x250xi32, #tpu.memory_space<vmem>> -> memref<1x250xi32, #tpu.memory_space<vmem>>
        %dma_wait3A_112 = tpu.memref_squeeze %dma_wait3A_111 : memref<1x250xi32, #tpu.memory_space<vmem>> -> memref<250xi32, #tpu.memory_space<vmem>>
        %dma_wait3A_113 = arith.constant 0 : i32
        %dma_wait3A_114 = arith.constant 0 : i32
        %dma_wait3A_115 = tpu.memref_slice %arg9[%dma_wait3A_113, %dma_wait3A_114] : memref<10000x64xf32, #tpu.memory_space<vmem_shared>> -> memref<10000x64xf32, #tpu.memory_space<vmem_shared>>
        tpu.wait_indirect_dma semaphore(%run_scoped3A_95 : memref<!tpu.dma_semaphore, #tpu.memory_space<semaphore_mem>>) src(%dma_wait3A_109 : memref<250x64xf32, #tpu.memory_space<vmem>>) dst(%dma_wait3A_115 : memref<10000x64xf32, #tpu.memory_space<vmem_shared>>)
        tpu.yield
      }) : () -> ()
      %lt3A_73 = arith.constant 39 : i32
      %lt3A_74 = arith.cmpi slt, %scan3A_39, %lt3A_73 : i32
      %convert_element_type3A_75 = arith.extui %lt3A_74 : i1 to i32
      %cond3A_76 = arith.constant 0 : i32
      %cond3A_77 = arith.cmpi ne, %convert_element_type3A_75, %cond3A_76 : i32
      scf.if %cond3A_77 {
        %add3A_95 = arith.constant 2 : i32
        %add3A_96 = arith.addi %mul3A_42, %add3A_95 : i32
        %dma_start3A_97 = arith.constant 0 : i32
        %dma_start3A_98 = arith.constant 0 : i32
        %dma_start3A_99 = arith.constant 0 : i32
        %dma_start3A_100 = tpu.memref_slice %arg8[%dma_start3A_97, %dma_start3A_98, %dma_start3A_99] : memref<2x250x64xf32, #tpu.memory_space<vmem>> -> memref<1x250x64xf32, #tpu.memory_space<vmem>>
        %dma_start3A_101 = tpu.memref_squeeze %dma_start3A_100 : memref<1x250x64xf32, #tpu.memory_space<vmem>> -> memref<250x64xf32, #tpu.memory_space<vmem>>
        %dma_start3A_102 = arith.constant 0 : i32
        %dma_start3A_103 = tpu.memref_slice %arg6[%add3A_96, %dma_start3A_102] : memref<80x250xi32, #tpu.memory_space<vmem>> -> memref<1x250xi32, #tpu.memory_space<vmem>>
        %dma_start3A_104 = tpu.memref_squeeze %dma_start3A_103 : memref<1x250xi32, #tpu.memory_space<vmem>> -> memref<250xi32, #tpu.memory_space<vmem>>
        %dma_start3A_105 = arith.constant 0 : i32
        %dma_start3A_106 = arith.constant 0 : i32
        %dma_start3A_107 = tpu.memref_slice %arg2[%arg0, %dma_start3A_105, %dma_start3A_106] : memref<2x10000x64xf32, #tpu.memory_space<hbm>> -> memref<1x10000x64xf32, #tpu.memory_space<hbm>>
        %dma_start3A_108 = tpu.memref_squeeze %dma_start3A_107 : memref<1x10000x64xf32, #tpu.memory_space<hbm>> -> memref<10000x64xf32, #tpu.memory_space<hbm>>
        %dma_start3A_109 = arith.constant 0 : i32
        %dma_start3A_110 = arith.constant 0 : i32
        %dma_start3A_111 = tpu.memref_slice %dma_start3A_108[%dma_start3A_109, %dma_start3A_110] : memref<10000x64xf32, #tpu.memory_space<hbm>> -> memref<10000x64xf32, #tpu.memory_space<hbm>>
        tpu.enqueue_indirect_dma source(%dma_start3A_111 : memref<10000x64xf32, #tpu.memory_space<hbm>>) target(%dma_start3A_101 : memref<250x64xf32, #tpu.memory_space<vmem>>) offsets(%dma_start3A_104 : memref<250xi32, #tpu.memory_space<vmem>>) semaphore(%arg10 : memref<!tpu.dma_semaphore, #tpu.memory_space<semaphore_mem>>)
      } else {
      }
      %dma_wait3A_78 = arith.constant 1 : i32
      %dma_wait3A_79 = arith.constant 0 : i32
      %dma_wait3A_80 = arith.constant 0 : i32
      %dma_wait3A_81 = tpu.memref_slice %arg8[%dma_wait3A_78, %dma_wait3A_79, %dma_wait3A_80] : memref<2x250x64xf32, #tpu.memory_space<vmem>> -> memref<1x250x64xf32, #tpu.memory_space<vmem>>
      %dma_wait3A_82 = tpu.memref_squeeze %dma_wait3A_81 : memref<1x250x64xf32, #tpu.memory_space<vmem>> -> memref<250x64xf32, #tpu.memory_space<vmem>>
      %dma_wait3A_83 = arith.constant 0 : i32
      %dma_wait3A_84 = tpu.memref_slice %arg6[%add3A_43, %dma_wait3A_83] : memref<80x250xi32, #tpu.memory_space<vmem>> -> memref<1x250xi32, #tpu.memory_space<vmem>>
      %dma_wait3A_85 = tpu.memref_squeeze %dma_wait3A_84 : memref<1x250xi32, #tpu.memory_space<vmem>> -> memref<250xi32, #tpu.memory_space<vmem>>
      %dma_wait3A_86 = arith.constant 0 : i32
      %dma_wait3A_87 = arith.constant 0 : i32
      %dma_wait3A_88 = tpu.memref_slice %arg2[%arg0, %dma_wait3A_86, %dma_wait3A_87] : memref<2x10000x64xf32, #tpu.memory_space<hbm>> -> memref<1x10000x64xf32, #tpu.memory_space<hbm>>
      %dma_wait3A_89 = tpu.memref_squeeze %dma_wait3A_88 : memref<1x10000x64xf32, #tpu.memory_space<hbm>> -> memref<10000x64xf32, #tpu.memory_space<hbm>>
      %dma_wait3A_90 = arith.constant 0 : i32
      %dma_wait3A_91 = arith.constant 0 : i32
      %dma_wait3A_92 = tpu.memref_slice %dma_wait3A_89[%dma_wait3A_90, %dma_wait3A_91] : memref<10000x64xf32, #tpu.memory_space<hbm>> -> memref<10000x64xf32, #tpu.memory_space<hbm>>
      tpu.wait_indirect_dma semaphore(%arg11 : memref<!tpu.dma_semaphore, #tpu.memory_space<semaphore_mem>>) src(%dma_wait3A_92 : memref<10000x64xf32, #tpu.memory_space<hbm>>) dst(%dma_wait3A_82 : memref<250x64xf32, #tpu.memory_space<vmem>>)
      %run_scoped3A_93 = arith.constant 1 : i32
      "tpu.region"() ({
        %run_scoped3A_95 = tpu.sem_alloc : memref<!tpu.dma_semaphore, #tpu.memory_space<semaphore_mem>>
        %dma_start3A_96 = arith.constant 0 : i32
        %dma_start3A_97 = arith.constant 0 : i32
        %dma_start3A_98 = tpu.memref_slice %arg8[%run_scoped3A_93, %dma_start3A_96, %dma_start3A_97] : memref<2x250x64xf32, #tpu.memory_space<vmem>> -> memref<1x250x64xf32, #tpu.memory_space<vmem>>
        %dma_start3A_99 = tpu.memref_squeeze %dma_start3A_98 : memref<1x250x64xf32, #tpu.memory_space<vmem>> -> memref<250x64xf32, #tpu.memory_space<vmem>>
        %dma_start3A_100 = arith.constant 0 : i32
        %dma_start3A_101 = tpu.memref_slice %arg7[%add3A_43, %dma_start3A_100] : memref<80x250xi32, #tpu.memory_space<vmem>> -> memref<1x250xi32, #tpu.memory_space<vmem>>
        %dma_start3A_102 = tpu.memref_squeeze %dma_start3A_101 : memref<1x250xi32, #tpu.memory_space<vmem>> -> memref<250xi32, #tpu.memory_space<vmem>>
        %dma_start3A_103 = arith.constant 0 : i32
        %dma_start3A_104 = arith.constant 0 : i32
        %dma_start3A_105 = tpu.memref_slice %arg9[%dma_start3A_103, %dma_start3A_104] : memref<10000x64xf32, #tpu.memory_space<vmem_shared>> -> memref<10000x64xf32, #tpu.memory_space<vmem_shared>>
        tpu.enqueue_indirect_dma source(%dma_start3A_99 : memref<250x64xf32, #tpu.memory_space<vmem>>) target(%dma_start3A_105 : memref<10000x64xf32, #tpu.memory_space<vmem_shared>>) offsets(%dma_start3A_102 : memref<250xi32, #tpu.memory_space<vmem>>) semaphore(%run_scoped3A_95 : memref<!tpu.dma_semaphore, #tpu.memory_space<semaphore_mem>>) {add = true}
        %dma_wait3A_106 = arith.constant 0 : i32
        %dma_wait3A_107 = arith.constant 0 : i32
        %dma_wait3A_108 = tpu.memref_slice %arg8[%run_scoped3A_93, %dma_wait3A_106, %dma_wait3A_107] : memref<2x250x64xf32, #tpu.memory_space<vmem>> -> memref<1x250x64xf32, #tpu.memory_space<vmem>>
        %dma_wait3A_109 = tpu.memref_squeeze %dma_wait3A_108 : memref<1x250x64xf32, #tpu.memory_space<vmem>> -> memref<250x64xf32, #tpu.memory_space<vmem>>
        %dma_wait3A_110 = arith.constant 0 : i32
        %dma_wait3A_111 = tpu.memref_slice %arg7[%add3A_43, %dma_wait3A_110] : memref<80x250xi32, #tpu.memory_space<vmem>> -> memref<1x250xi32, #tpu.memory_space<vmem>>
        %dma_wait3A_112 = tpu.memref_squeeze %dma_wait3A_111 : memref<1x250xi32, #tpu.memory_space<vmem>> -> memref<250xi32, #tpu.memory_space<vmem>>
        %dma_wait3A_113 = arith.constant 0 : i32
        %dma_wait3A_114 = arith.constant 0 : i32
        %dma_wait3A_115 = tpu.memref_slice %arg9[%dma_wait3A_113, %dma_wait3A_114] : memref<10000x64xf32, #tpu.memory_space<vmem_shared>> -> memref<10000x64xf32, #tpu.memory_space<vmem_shared>>
        tpu.wait_indirect_dma semaphore(%run_scoped3A_95 : memref<!tpu.dma_semaphore, #tpu.memory_space<semaphore_mem>>) src(%dma_wait3A_109 : memref<250x64xf32, #tpu.memory_space<vmem>>) dst(%dma_wait3A_115 : memref<10000x64xf32, #tpu.memory_space<vmem_shared>>)
        tpu.yield
      }) : () -> ()
      %scan3A_94 = arith.constant 0 : i32
      scf.yield %scan3A_94 : i32
    }
    %scan3A_27 = arith.constant 40 : i32
    %barrier3A_28 = arith.constant 0 : index
    tpu.barrier barrier_id(%barrier3A_28)
    %lt3A_29 = arith.constant 15 : i32
    %lt3A_30 = arith.cmpi slt, %arg1, %lt3A_29 : i32
    %convert_element_type3A_31 = arith.extui %lt3A_30 : i1 to i32
    %cond3A_32 = arith.constant 0 : i32
    %cond3A_33 = arith.cmpi ne, %convert_element_type3A_31, %cond3A_32 : i32
    scf.if %cond3A_33 {
      "tpu.region"() ({
        %run_scoped3A = tpu.sem_alloc : memref<!tpu.dma_semaphore, #tpu.memory_space<semaphore_mem>>
        %dma_start3A_39 = arith.constant 0 : i32
        %dma_start3A_40 = tpu.memref_slice %arg5[%arg0, %mul3A_0, %dma_start3A_39] : memref<2x10000x64xf32, #tpu.memory_space<hbm>> -> memref<1x624x64xf32, #tpu.memory_space<hbm>>
        %dma_start3A_41 = tpu.memref_squeeze %dma_start3A_40 : memref<1x624x64xf32, #tpu.memory_space<hbm>> -> memref<624x64xf32, #tpu.memory_space<hbm>>
        %dma_start3A_42 = arith.constant 0 : i32
        %dma_start3A_43 = tpu.memref_slice %arg9[%mul3A_0, %dma_start3A_42] : memref<10000x64xf32, #tpu.memory_space<vmem_shared>> -> memref<624x64xf32, #tpu.memory_space<vmem_shared>>
        tpu.enqueue_dma source(%dma_start3A_43 : memref<624x64xf32, #tpu.memory_space<vmem_shared>>) target(%dma_start3A_41 : memref<624x64xf32, #tpu.memory_space<hbm>>) target_semaphore(%run_scoped3A : memref<!tpu.dma_semaphore, #tpu.memory_space<semaphore_mem>>)
        %dma_wait3A = arith.constant 0 : i32
        %dma_wait3A_44 = tpu.memref_slice %arg5[%arg0, %mul3A_0, %dma_wait3A] : memref<2x10000x64xf32, #tpu.memory_space<hbm>> -> memref<1x624x64xf32, #tpu.memory_space<hbm>>
        %dma_wait3A_45 = tpu.memref_squeeze %dma_wait3A_44 : memref<1x624x64xf32, #tpu.memory_space<hbm>> -> memref<624x64xf32, #tpu.memory_space<hbm>>
        %dma_wait3A_46 = arith.constant 0 : i32
        %dma_wait3A_47 = tpu.memref_slice %arg9[%mul3A_0, %dma_wait3A_46] : memref<10000x64xf32, #tpu.memory_space<vmem_shared>> -> memref<624x64xf32, #tpu.memory_space<vmem_shared>>
        tpu.wait_dma2 semaphore(%run_scoped3A : memref<!tpu.dma_semaphore, #tpu.memory_space<semaphore_mem>>) src(%dma_wait3A_47 : memref<624x64xf32, #tpu.memory_space<vmem_shared>>) dst(%dma_wait3A_45 : memref<624x64xf32, #tpu.memory_space<hbm>>)
        tpu.yield
      }) : () -> ()
    } else {
    }
    %eq3A_34 = arith.constant 15 : i32
    %eq3A_35 = arith.cmpi eq, %arg1, %eq3A_34 : i32
    %convert_element_type3A_36 = arith.extui %eq3A_35 : i1 to i32
    %cond3A_37 = arith.constant 0 : i32
    %cond3A_38 = arith.cmpi ne, %convert_element_type3A_36, %cond3A_37 : i32
    scf.if %cond3A_38 {
      "tpu.region"() ({
        %run_scoped3A = tpu.sem_alloc : memref<!tpu.dma_semaphore, #tpu.memory_space<semaphore_mem>>
        %dma_start3A_39 = arith.constant 9360 : i32
        %dma_start3A_40 = arith.constant 0 : i32
        %dma_start3A_41 = tpu.memref_slice %arg5[%arg0, %dma_start3A_39, %dma_start3A_40] : memref<2x10000x64xf32, #tpu.memory_space<hbm>> -> memref<1x640x64xf32, #tpu.memory_space<hbm>>
        %dma_start3A_42 = tpu.memref_squeeze %dma_start3A_41 : memref<1x640x64xf32, #tpu.memory_space<hbm>> -> memref<640x64xf32, #tpu.memory_space<hbm>>
        %dma_start3A_43 = arith.constant 9360 : i32
        %dma_start3A_44 = arith.constant 0 : i32
        %dma_start3A_45 = tpu.memref_slice %arg9[%dma_start3A_43, %dma_start3A_44] : memref<10000x64xf32, #tpu.memory_space<vmem_shared>> -> memref<640x64xf32, #tpu.memory_space<vmem_shared>>
        tpu.enqueue_dma source(%dma_start3A_45 : memref<640x64xf32, #tpu.memory_space<vmem_shared>>) target(%dma_start3A_42 : memref<640x64xf32, #tpu.memory_space<hbm>>) target_semaphore(%run_scoped3A : memref<!tpu.dma_semaphore, #tpu.memory_space<semaphore_mem>>)
        %dma_wait3A = arith.constant 9360 : i32
        %dma_wait3A_46 = arith.constant 0 : i32
        %dma_wait3A_47 = tpu.memref_slice %arg5[%arg0, %dma_wait3A, %dma_wait3A_46] : memref<2x10000x64xf32, #tpu.memory_space<hbm>> -> memref<1x640x64xf32, #tpu.memory_space<hbm>>
        %dma_wait3A_48 = tpu.memref_squeeze %dma_wait3A_47 : memref<1x640x64xf32, #tpu.memory_space<hbm>> -> memref<640x64xf32, #tpu.memory_space<hbm>>
        %dma_wait3A_49 = arith.constant 9360 : i32
        %dma_wait3A_50 = arith.constant 0 : i32
        %dma_wait3A_51 = tpu.memref_slice %arg9[%dma_wait3A_49, %dma_wait3A_50] : memref<10000x64xf32, #tpu.memory_space<vmem_shared>> -> memref<640x64xf32, #tpu.memory_space<vmem_shared>>
        tpu.wait_dma2 semaphore(%run_scoped3A : memref<!tpu.dma_semaphore, #tpu.memory_space<semaphore_mem>>) src(%dma_wait3A_51 : memref<640x64xf32, #tpu.memory_space<vmem_shared>>) dst(%dma_wait3A_48 : memref<640x64xf32, #tpu.memory_space<hbm>>)
        tpu.yield
      }) : () -> ()
    } else {
    }
    return
  }
}

#map = affine_map<(d0, d1) -> (0, 0, 0)>
module attributes {stable_mosaic.version = 14 : i64} {
  func.func @_edge_kernel(%arg0: i32, %arg1: i32, %arg2: memref<2x10000x64xf32, #tpu.memory_space<hbm>>, %arg3: memref<16x80x250xi32, #tpu.memory_space<hbm>>, %arg4: memref<16x80x250xi32, #tpu.memory_space<hbm>>, %arg5: memref<2x10000x64xf32, #tpu.memory_space<hbm>>, %arg6: memref<80x250xi32, #tpu.memory_space<vmem>>, %arg7: memref<80x250xi32, #tpu.memory_space<vmem>>, %arg8: memref<2x250x64xf32, #tpu.memory_space<vmem>>, %arg9: memref<10000x64xf32, #tpu.memory_space<vmem_shared>>, %arg10: memref<!tpu.dma_semaphore, #tpu.memory_space<semaphore_mem>>, %arg11: memref<!tpu.dma_semaphore, #tpu.memory_space<semaphore_mem>>, %arg12: memref<!tpu.dma_semaphore, #tpu.memory_space<semaphore_mem>>, %arg13: memref<!tpu.dma_semaphore, #tpu.memory_space<semaphore_mem>>) attributes {dimension_semantics = [#tpu.dimension_semantics<core_parallel>, #tpu.dimension_semantics<subcore_parallel>], iteration_bounds = array<i64: 2, 16>, scalar_prefetch = 0 : i64, scratch_operands = 8 : i64, tpu.core_type = #tpu.core_type<sc_vector_subcore>, window_params = [{transform_indices = #map}, {transform_indices = #map}, {transform_indices = #map}, {transform_indices = #map}]} {
    %mul3A = arith.constant 624 : i32
    %mul3A_0 = arith.muli %arg1, %mul3A : i32
    %lt3A = arith.constant 15 : i32
    %lt3A_1 = arith.cmpi slt, %arg1, %lt3A : i32
    %convert_element_type3A = arith.extui %lt3A_1 : i1 to i32
    %cond3A = arith.constant 0 : i32
    %cond3A_2 = arith.cmpi ne, %convert_element_type3A, %cond3A : i32
    scf.if %cond3A_2 {
      "tpu.region"() ({
        %run_scoped3A = tpu.sem_alloc : memref<!tpu.dma_semaphore, #tpu.memory_space<semaphore_mem>>
        %dma_start3A_39 = arith.constant 0 : i32
        %dma_start3A_40 = tpu.memref_slice %arg9[%mul3A_0, %dma_start3A_39] : memref<10000x64xf32, #tpu.memory_space<vmem_shared>> -> memref<624x64xf32, #tpu.memory_space<vmem_shared>>
        %dma_start3A_41 = arith.constant 0 : i32
        %dma_start3A_42 = arith.constant 0 : i32
        %dma_start3A_43 = tpu.memref_slice %arg2[%arg0, %dma_start3A_41, %dma_start3A_42] : memref<2x10000x64xf32, #tpu.memory_space<hbm>> -> memref<1x10000x64xf32, #tpu.memory_space<hbm>>
        %dma_start3A_44 = tpu.memref_squeeze %dma_start3A_43 : memref<1x10000x64xf32, #tpu.memory_space<hbm>> -> memref<10000x64xf32, #tpu.memory_space<hbm>>
        %dma_start3A_45 = arith.constant 0 : i32
        %dma_start3A_46 = tpu.memref_slice %dma_start3A_44[%mul3A_0, %dma_start3A_45] : memref<10000x64xf32, #tpu.memory_space<hbm>> -> memref<624x64xf32, #tpu.memory_space<hbm>>
        tpu.enqueue_dma source(%dma_start3A_46 : memref<624x64xf32, #tpu.memory_space<hbm>>) target(%dma_start3A_40 : memref<624x64xf32, #tpu.memory_space<vmem_shared>>) target_semaphore(%run_scoped3A : memref<!tpu.dma_semaphore, #tpu.memory_space<semaphore_mem>>)
        %dma_wait3A = arith.constant 0 : i32
        %dma_wait3A_47 = tpu.memref_slice %arg9[%mul3A_0, %dma_wait3A] : memref<10000x64xf32, #tpu.memory_space<vmem_shared>> -> memref<624x64xf32, #tpu.memory_space<vmem_shared>>
        %dma_wait3A_48 = arith.constant 0 : i32
        %dma_wait3A_49 = arith.constant 0 : i32
        %dma_wait3A_50 = tpu.memref_slice %arg2[%arg0, %dma_wait3A_48, %dma_wait3A_49] : memref<2x10000x64xf32, #tpu.memory_space<hbm>> -> memref<1x10000x64xf32, #tpu.memory_space<hbm>>
        %dma_wait3A_51 = tpu.memref_squeeze %dma_wait3A_50 : memref<1x10000x64xf32, #tpu.memory_space<hbm>> -> memref<10000x64xf32, #tpu.memory_space<hbm>>
        %dma_wait3A_52 = arith.constant 0 : i32
        %dma_wait3A_53 = tpu.memref_slice %dma_wait3A_51[%mul3A_0, %dma_wait3A_52] : memref<10000x64xf32, #tpu.memory_space<hbm>> -> memref<624x64xf32, #tpu.memory_space<hbm>>
        tpu.wait_dma2 semaphore(%run_scoped3A : memref<!tpu.dma_semaphore, #tpu.memory_space<semaphore_mem>>) src(%dma_wait3A_53 : memref<624x64xf32, #tpu.memory_space<hbm>>) dst(%dma_wait3A_47 : memref<624x64xf32, #tpu.memory_space<vmem_shared>>)
        tpu.yield
      }) : () -> ()
    } else {
    }
    %eq3A = arith.constant 15 : i32
    %eq3A_3 = arith.cmpi eq, %arg1, %eq3A : i32
    %convert_element_type3A_4 = arith.extui %eq3A_3 : i1 to i32
    %cond3A_5 = arith.constant 0 : i32
    %cond3A_6 = arith.cmpi ne, %convert_element_type3A_4, %cond3A_5 : i32
    scf.if %cond3A_6 {
      "tpu.region"() ({
        %run_scoped3A = tpu.sem_alloc : memref<!tpu.dma_semaphore, #tpu.memory_space<semaphore_mem>>
        %dma_start3A_39 = arith.constant 9360 : i32
        %dma_start3A_40 = arith.constant 0 : i32
        %dma_start3A_41 = tpu.memref_slice %arg9[%dma_start3A_39, %dma_start3A_40] : memref<10000x64xf32, #tpu.memory_space<vmem_shared>> -> memref<640x64xf32, #tpu.memory_space<vmem_shared>>
        %dma_start3A_42 = arith.constant 0 : i32
        %dma_start3A_43 = arith.constant 0 : i32
        %dma_start3A_44 = tpu.memref_slice %arg2[%arg0, %dma_start3A_42, %dma_start3A_43] : memref<2x10000x64xf32, #tpu.memory_space<hbm>> -> memref<1x10000x64xf32, #tpu.memory_space<hbm>>
        %dma_start3A_45 = tpu.memref_squeeze %dma_start3A_44 : memref<1x10000x64xf32, #tpu.memory_space<hbm>> -> memref<10000x64xf32, #tpu.memory_space<hbm>>
        %dma_start3A_46 = arith.constant 9360 : i32
        %dma_start3A_47 = arith.constant 0 : i32
        %dma_start3A_48 = tpu.memref_slice %dma_start3A_45[%dma_start3A_46, %dma_start3A_47] : memref<10000x64xf32, #tpu.memory_space<hbm>> -> memref<640x64xf32, #tpu.memory_space<hbm>>
        tpu.enqueue_dma source(%dma_start3A_48 : memref<640x64xf32, #tpu.memory_space<hbm>>) target(%dma_start3A_41 : memref<640x64xf32, #tpu.memory_space<vmem_shared>>) target_semaphore(%run_scoped3A : memref<!tpu.dma_semaphore, #tpu.memory_space<semaphore_mem>>)
        %dma_wait3A = arith.constant 9360 : i32
        %dma_wait3A_49 = arith.constant 0 : i32
        %dma_wait3A_50 = tpu.memref_slice %arg9[%dma_wait3A, %dma_wait3A_49] : memref<10000x64xf32, #tpu.memory_space<vmem_shared>> -> memref<640x64xf32, #tpu.memory_space<vmem_shared>>
        %dma_wait3A_51 = arith.constant 0 : i32
        %dma_wait3A_52 = arith.constant 0 : i32
        %dma_wait3A_53 = tpu.memref_slice %arg2[%arg0, %dma_wait3A_51, %dma_wait3A_52] : memref<2x10000x64xf32, #tpu.memory_space<hbm>> -> memref<1x10000x64xf32, #tpu.memory_space<hbm>>
        %dma_wait3A_54 = tpu.memref_squeeze %dma_wait3A_53 : memref<1x10000x64xf32, #tpu.memory_space<hbm>> -> memref<10000x64xf32, #tpu.memory_space<hbm>>
        %dma_wait3A_55 = arith.constant 9360 : i32
        %dma_wait3A_56 = arith.constant 0 : i32
        %dma_wait3A_57 = tpu.memref_slice %dma_wait3A_54[%dma_wait3A_55, %dma_wait3A_56] : memref<10000x64xf32, #tpu.memory_space<hbm>> -> memref<640x64xf32, #tpu.memory_space<hbm>>
        tpu.wait_dma2 semaphore(%run_scoped3A : memref<!tpu.dma_semaphore, #tpu.memory_space<semaphore_mem>>) src(%dma_wait3A_57 : memref<640x64xf32, #tpu.memory_space<hbm>>) dst(%dma_wait3A_50 : memref<640x64xf32, #tpu.memory_space<vmem_shared>>)
        tpu.yield
      }) : () -> ()
    } else {
    }
    "tpu.region"() ({
      %run_scoped3A = tpu.sem_alloc : memref<!tpu.dma_semaphore, #tpu.memory_space<semaphore_mem>>
      %dma_start3A_39 = arith.constant 0 : i32
      %dma_start3A_40 = arith.constant 0 : i32
      %dma_start3A_41 = tpu.memref_slice %arg3[%arg1, %dma_start3A_39, %dma_start3A_40] : memref<16x80x250xi32, #tpu.memory_space<hbm>> -> memref<1x80x250xi32, #tpu.memory_space<hbm>>
      %dma_start3A_42 = tpu.memref_squeeze %dma_start3A_41 : memref<1x80x250xi32, #tpu.memory_space<hbm>> -> memref<80x250xi32, #tpu.memory_space<hbm>>
      %dma_start3A_43 = arith.constant 0 : i32
      %dma_start3A_44 = arith.constant 0 : i32
      %dma_start3A_45 = tpu.memref_slice %arg3[%arg1, %dma_start3A_43, %dma_start3A_44] : memref<16x80x250xi32, #tpu.memory_space<hbm>> -> memref<1x80x250xi32, #tpu.memory_space<hbm>>
      %dma_start3A_46 = tpu.memref_squeeze %dma_start3A_45 : memref<1x80x250xi32, #tpu.memory_space<hbm>> -> memref<80x250xi32, #tpu.memory_space<hbm>>
      tpu.enqueue_dma source(%dma_start3A_46 : memref<80x250xi32, #tpu.memory_space<hbm>>) target(%arg6 : memref<80x250xi32, #tpu.memory_space<vmem>>) target_semaphore(%run_scoped3A : memref<!tpu.dma_semaphore, #tpu.memory_space<semaphore_mem>>)
      %dma_wait3A = arith.constant 0 : i32
      %dma_wait3A_47 = arith.constant 0 : i32
      %dma_wait3A_48 = tpu.memref_slice %arg3[%arg1, %dma_wait3A, %dma_wait3A_47] : memref<16x80x250xi32, #tpu.memory_space<hbm>> -> memref<1x80x250xi32, #tpu.memory_space<hbm>>
      %dma_wait3A_49 = tpu.memref_squeeze %dma_wait3A_48 : memref<1x80x250xi32, #tpu.memory_space<hbm>> -> memref<80x250xi32, #tpu.memory_space<hbm>>
      %dma_wait3A_50 = arith.constant 0 : i32
      %dma_wait3A_51 = arith.constant 0 : i32
      %dma_wait3A_52 = tpu.memref_slice %arg3[%arg1, %dma_wait3A_50, %dma_wait3A_51] : memref<16x80x250xi32, #tpu.memory_space<hbm>> -> memref<1x80x250xi32, #tpu.memory_space<hbm>>
      %dma_wait3A_53 = tpu.memref_squeeze %dma_wait3A_52 : memref<1x80x250xi32, #tpu.memory_space<hbm>> -> memref<80x250xi32, #tpu.memory_space<hbm>>
      tpu.wait_dma2 semaphore(%run_scoped3A : memref<!tpu.dma_semaphore, #tpu.memory_space<semaphore_mem>>) src(%dma_wait3A_53 : memref<80x250xi32, #tpu.memory_space<hbm>>) dst(%arg6 : memref<80x250xi32, #tpu.memory_space<vmem>>)
      tpu.yield
    }) : () -> ()
    "tpu.region"() ({
      %run_scoped3A = tpu.sem_alloc : memref<!tpu.dma_semaphore, #tpu.memory_space<semaphore_mem>>
      %dma_start3A_39 = arith.constant 0 : i32
      %dma_start3A_40 = arith.constant 0 : i32
      %dma_start3A_41 = tpu.memref_slice %arg4[%arg1, %dma_start3A_39, %dma_start3A_40] : memref<16x80x250xi32, #tpu.memory_space<hbm>> -> memref<1x80x250xi32, #tpu.memory_space<hbm>>
      %dma_start3A_42 = tpu.memref_squeeze %dma_start3A_41 : memref<1x80x250xi32, #tpu.memory_space<hbm>> -> memref<80x250xi32, #tpu.memory_space<hbm>>
      %dma_start3A_43 = arith.constant 0 : i32
      %dma_start3A_44 = arith.constant 0 : i32
      %dma_start3A_45 = tpu.memref_slice %arg4[%arg1, %dma_start3A_43, %dma_start3A_44] : memref<16x80x250xi32, #tpu.memory_space<hbm>> -> memref<1x80x250xi32, #tpu.memory_space<hbm>>
      %dma_start3A_46 = tpu.memref_squeeze %dma_start3A_45 : memref<1x80x250xi32, #tpu.memory_space<hbm>> -> memref<80x250xi32, #tpu.memory_space<hbm>>
      tpu.enqueue_dma source(%dma_start3A_46 : memref<80x250xi32, #tpu.memory_space<hbm>>) target(%arg7 : memref<80x250xi32, #tpu.memory_space<vmem>>) target_semaphore(%run_scoped3A : memref<!tpu.dma_semaphore, #tpu.memory_space<semaphore_mem>>)
      %dma_wait3A = arith.constant 0 : i32
      %dma_wait3A_47 = arith.constant 0 : i32
      %dma_wait3A_48 = tpu.memref_slice %arg4[%arg1, %dma_wait3A, %dma_wait3A_47] : memref<16x80x250xi32, #tpu.memory_space<hbm>> -> memref<1x80x250xi32, #tpu.memory_space<hbm>>
      %dma_wait3A_49 = tpu.memref_squeeze %dma_wait3A_48 : memref<1x80x250xi32, #tpu.memory_space<hbm>> -> memref<80x250xi32, #tpu.memory_space<hbm>>
      %dma_wait3A_50 = arith.constant 0 : i32
      %dma_wait3A_51 = arith.constant 0 : i32
      %dma_wait3A_52 = tpu.memref_slice %arg4[%arg1, %dma_wait3A_50, %dma_wait3A_51] : memref<16x80x250xi32, #tpu.memory_space<hbm>> -> memref<1x80x250xi32, #tpu.memory_space<hbm>>
      %dma_wait3A_53 = tpu.memref_squeeze %dma_wait3A_52 : memref<1x80x250xi32, #tpu.memory_space<hbm>> -> memref<80x250xi32, #tpu.memory_space<hbm>>
      tpu.wait_dma2 semaphore(%run_scoped3A : memref<!tpu.dma_semaphore, #tpu.memory_space<semaphore_mem>>) src(%dma_wait3A_53 : memref<80x250xi32, #tpu.memory_space<hbm>>) dst(%arg7 : memref<80x250xi32, #tpu.memory_space<vmem>>)
      tpu.yield
    }) : () -> ()
    %barrier3A = arith.constant 0 : index
    tpu.barrier barrier_id(%barrier3A)
    %dma_start3A = arith.constant 0 : i32
    %dma_start3A_7 = arith.constant 0 : i32
    %dma_start3A_8 = arith.constant 0 : i32
    %dma_start3A_9 = arith.constant 0 : i32
    %dma_start3A_10 = tpu.memref_slice %arg8[%dma_start3A_7, %dma_start3A_8, %dma_start3A_9] : memref<2x250x64xf32, #tpu.memory_space<vmem>> -> memref<1x250x64xf32, #tpu.memory_space<vmem>>
    %dma_start3A_11 = tpu.memref_squeeze %dma_start3A_10 : memref<1x250x64xf32, #tpu.memory_space<vmem>> -> memref<250x64xf32, #tpu.memory_space<vmem>>
    %dma_start3A_12 = arith.constant 0 : i32
    %dma_start3A_13 = tpu.memref_slice %arg6[%dma_start3A, %dma_start3A_12] : memref<80x250xi32, #tpu.memory_space<vmem>> -> memref<1x250xi32, #tpu.memory_space<vmem>>
    %dma_start3A_14 = tpu.memref_squeeze %dma_start3A_13 : memref<1x250xi32, #tpu.memory_space<vmem>> -> memref<250xi32, #tpu.memory_space<vmem>>
    %dma_start3A_15 = arith.constant 0 : i32
    %dma_start3A_16 = arith.constant 0 : i32
    %dma_start3A_17 = tpu.memref_slice %arg2[%arg0, %dma_start3A_15, %dma_start3A_16] : memref<2x10000x64xf32, #tpu.memory_space<hbm>> -> memref<1x10000x64xf32, #tpu.memory_space<hbm>>
    %dma_start3A_18 = tpu.memref_squeeze %dma_start3A_17 : memref<1x10000x64xf32, #tpu.memory_space<hbm>> -> memref<10000x64xf32, #tpu.memory_space<hbm>>
    %dma_start3A_19 = arith.constant 0 : i32
    %dma_start3A_20 = arith.constant 0 : i32
    %dma_start3A_21 = tpu.memref_slice %dma_start3A_18[%dma_start3A_19, %dma_start3A_20] : memref<10000x64xf32, #tpu.memory_space<hbm>> -> memref<10000x64xf32, #tpu.memory_space<hbm>>
    tpu.enqueue_indirect_dma source(%dma_start3A_21 : memref<10000x64xf32, #tpu.memory_space<hbm>>) target(%dma_start3A_11 : memref<250x64xf32, #tpu.memory_space<vmem>>) offsets(%dma_start3A_14 : memref<250xi32, #tpu.memory_space<vmem>>) semaphore(%arg10 : memref<!tpu.dma_semaphore, #tpu.memory_space<semaphore_mem>>)
    %scan3A = arith.constant 0 : i32
    %scan3A_22 = arith.constant 0 : i32
    %scan3A_23 = arith.constant 40 : i32
    %scan3A_24 = arith.addi %scan3A_22, %scan3A_23 : i32
    %scan3A_25 = arith.constant 1 : i32
    %scan3A_26 = scf.for %scan3A_39 = %scan3A_22 to %scan3A_24 step %scan3A_25 iter_args(%scan3A_40 = %scan3A) -> (i32)  : i32 {
      %mul3A_41 = arith.constant 2 : i32
      %mul3A_42 = arith.muli %mul3A_41, %scan3A_39 : i32
      %add3A = arith.constant 1 : i32
      %add3A_43 = arith.addi %mul3A_42, %add3A : i32
      %dma_start3A_44 = arith.constant 1 : i32
      %dma_start3A_45 = arith.constant 0 : i32
      %dma_start3A_46 = arith.constant 0 : i32
      %dma_start3A_47 = tpu.memref_slice %arg8[%dma_start3A_44, %dma_start3A_45, %dma_start3A_46] : memref<2x250x64xf32, #tpu.memory_space<vmem>> -> memref<1x250x64xf32, #tpu.memory_space<vmem>>
      %dma_start3A_48 = tpu.memref_squeeze %dma_start3A_47 : memref<1x250x64xf32, #tpu.memory_space<vmem>> -> memref<250x64xf32, #tpu.memory_space<vmem>>
      %dma_start3A_49 = arith.constant 0 : i32
      %dma_start3A_50 = tpu.memref_slice %arg6[%add3A_43, %dma_start3A_49] : memref<80x250xi32, #tpu.memory_space<vmem>> -> memref<1x250xi32, #tpu.memory_space<vmem>>
      %dma_start3A_51 = tpu.memref_squeeze %dma_start3A_50 : memref<1x250xi32, #tpu.memory_space<vmem>> -> memref<250xi32, #tpu.memory_space<vmem>>
      %dma_start3A_52 = arith.constant 0 : i32
      %dma_start3A_53 = arith.constant 0 : i32
      %dma_start3A_54 = tpu.memref_slice %arg2[%arg0, %dma_start3A_52, %dma_start3A_53] : memref<2x10000x64xf32, #tpu.memory_space<hbm>> -> memref<1x10000x64xf32, #tpu.memory_space<hbm>>
      %dma_start3A_55 = tpu.memref_squeeze %dma_start3A_54 : memref<1x10000x64xf32, #tpu.memory_space<hbm>> -> memref<10000x64xf32, #tpu.memory_space<hbm>>
      %dma_start3A_56 = arith.constant 0 : i32
      %dma_start3A_57 = arith.constant 0 : i32
      %dma_start3A_58 = tpu.memref_slice %dma_start3A_55[%dma_start3A_56, %dma_start3A_57] : memref<10000x64xf32, #tpu.memory_space<hbm>> -> memref<10000x64xf32, #tpu.memory_space<hbm>>
      tpu.enqueue_indirect_dma source(%dma_start3A_58 : memref<10000x64xf32, #tpu.memory_space<hbm>>) target(%dma_start3A_48 : memref<250x64xf32, #tpu.memory_space<vmem>>) offsets(%dma_start3A_51 : memref<250xi32, #tpu.memory_space<vmem>>) semaphore(%arg11 : memref<!tpu.dma_semaphore, #tpu.memory_space<semaphore_mem>>)
      %dma_wait3A = arith.constant 0 : i32
      %dma_wait3A_59 = arith.constant 0 : i32
      %dma_wait3A_60 = arith.constant 0 : i32
      %dma_wait3A_61 = tpu.memref_slice %arg8[%dma_wait3A, %dma_wait3A_59, %dma_wait3A_60] : memref<2x250x64xf32, #tpu.memory_space<vmem>> -> memref<1x250x64xf32, #tpu.memory_space<vmem>>
      %dma_wait3A_62 = tpu.memref_squeeze %dma_wait3A_61 : memref<1x250x64xf32, #tpu.memory_space<vmem>> -> memref<250x64xf32, #tpu.memory_space<vmem>>
      %dma_wait3A_63 = arith.constant 0 : i32
      %dma_wait3A_64 = tpu.memref_slice %arg6[%mul3A_42, %dma_wait3A_63] : memref<80x250xi32, #tpu.memory_space<vmem>> -> memref<1x250xi32, #tpu.memory_space<vmem>>
      %dma_wait3A_65 = tpu.memref_squeeze %dma_wait3A_64 : memref<1x250xi32, #tpu.memory_space<vmem>> -> memref<250xi32, #tpu.memory_space<vmem>>
      %dma_wait3A_66 = arith.constant 0 : i32
      %dma_wait3A_67 = arith.constant 0 : i32
      %dma_wait3A_68 = tpu.memref_slice %arg2[%arg0, %dma_wait3A_66, %dma_wait3A_67] : memref<2x10000x64xf32, #tpu.memory_space<hbm>> -> memref<1x10000x64xf32, #tpu.memory_space<hbm>>
      %dma_wait3A_69 = tpu.memref_squeeze %dma_wait3A_68 : memref<1x10000x64xf32, #tpu.memory_space<hbm>> -> memref<10000x64xf32, #tpu.memory_space<hbm>>
      %dma_wait3A_70 = arith.constant 0 : i32
      %dma_wait3A_71 = arith.constant 0 : i32
      %dma_wait3A_72 = tpu.memref_slice %dma_wait3A_69[%dma_wait3A_70, %dma_wait3A_71] : memref<10000x64xf32, #tpu.memory_space<hbm>> -> memref<10000x64xf32, #tpu.memory_space<hbm>>
      tpu.wait_indirect_dma semaphore(%arg10 : memref<!tpu.dma_semaphore, #tpu.memory_space<semaphore_mem>>) src(%dma_wait3A_72 : memref<10000x64xf32, #tpu.memory_space<hbm>>) dst(%dma_wait3A_62 : memref<250x64xf32, #tpu.memory_space<vmem>>)
      %run_scoped3A = arith.constant 0 : i32
      "tpu.region"() ({
        %run_scoped3A_95 = tpu.sem_alloc : memref<!tpu.dma_semaphore, #tpu.memory_space<semaphore_mem>>
        %dma_start3A_96 = arith.constant 0 : i32
        %dma_start3A_97 = arith.constant 0 : i32
        %dma_start3A_98 = tpu.memref_slice %arg8[%run_scoped3A, %dma_start3A_96, %dma_start3A_97] : memref<2x250x64xf32, #tpu.memory_space<vmem>> -> memref<1x250x64xf32, #tpu.memory_space<vmem>>
        %dma_start3A_99 = tpu.memref_squeeze %dma_start3A_98 : memref<1x250x64xf32, #tpu.memory_space<vmem>> -> memref<250x64xf32, #tpu.memory_space<vmem>>
        %dma_start3A_100 = arith.constant 0 : i32
        %dma_start3A_101 = tpu.memref_slice %arg7[%mul3A_42, %dma_start3A_100] : memref<80x250xi32, #tpu.memory_space<vmem>> -> memref<1x250xi32, #tpu.memory_space<vmem>>
        %dma_start3A_102 = tpu.memref_squeeze %dma_start3A_101 : memref<1x250xi32, #tpu.memory_space<vmem>> -> memref<250xi32, #tpu.memory_space<vmem>>
        %dma_start3A_103 = arith.constant 0 : i32
        %dma_start3A_104 = arith.constant 0 : i32
        %dma_start3A_105 = tpu.memref_slice %arg9[%dma_start3A_103, %dma_start3A_104] : memref<10000x64xf32, #tpu.memory_space<vmem_shared>> -> memref<10000x64xf32, #tpu.memory_space<vmem_shared>>
        tpu.enqueue_indirect_dma source(%dma_start3A_99 : memref<250x64xf32, #tpu.memory_space<vmem>>) target(%dma_start3A_105 : memref<10000x64xf32, #tpu.memory_space<vmem_shared>>) offsets(%dma_start3A_102 : memref<250xi32, #tpu.memory_space<vmem>>) semaphore(%run_scoped3A_95 : memref<!tpu.dma_semaphore, #tpu.memory_space<semaphore_mem>>) {add = true}
        %dma_wait3A_106 = arith.constant 0 : i32
        %dma_wait3A_107 = arith.constant 0 : i32
        %dma_wait3A_108 = tpu.memref_slice %arg8[%run_scoped3A, %dma_wait3A_106, %dma_wait3A_107] : memref<2x250x64xf32, #tpu.memory_space<vmem>> -> memref<1x250x64xf32, #tpu.memory_space<vmem>>
        %dma_wait3A_109 = tpu.memref_squeeze %dma_wait3A_108 : memref<1x250x64xf32, #tpu.memory_space<vmem>> -> memref<250x64xf32, #tpu.memory_space<vmem>>
        %dma_wait3A_110 = arith.constant 0 : i32
        %dma_wait3A_111 = tpu.memref_slice %arg7[%mul3A_42, %dma_wait3A_110] : memref<80x250xi32, #tpu.memory_space<vmem>> -> memref<1x250xi32, #tpu.memory_space<vmem>>
        %dma_wait3A_112 = tpu.memref_squeeze %dma_wait3A_111 : memref<1x250xi32, #tpu.memory_space<vmem>> -> memref<250xi32, #tpu.memory_space<vmem>>
        %dma_wait3A_113 = arith.constant 0 : i32
        %dma_wait3A_114 = arith.constant 0 : i32
        %dma_wait3A_115 = tpu.memref_slice %arg9[%dma_wait3A_113, %dma_wait3A_114] : memref<10000x64xf32, #tpu.memory_space<vmem_shared>> -> memref<10000x64xf32, #tpu.memory_space<vmem_shared>>
        tpu.wait_indirect_dma semaphore(%run_scoped3A_95 : memref<!tpu.dma_semaphore, #tpu.memory_space<semaphore_mem>>) src(%dma_wait3A_109 : memref<250x64xf32, #tpu.memory_space<vmem>>) dst(%dma_wait3A_115 : memref<10000x64xf32, #tpu.memory_space<vmem_shared>>)
        tpu.yield
      }) : () -> ()
      %lt3A_73 = arith.constant 39 : i32
      %lt3A_74 = arith.cmpi slt, %scan3A_39, %lt3A_73 : i32
      %convert_element_type3A_75 = arith.extui %lt3A_74 : i1 to i32
      %cond3A_76 = arith.constant 0 : i32
      %cond3A_77 = arith.cmpi ne, %convert_element_type3A_75, %cond3A_76 : i32
      scf.if %cond3A_77 {
        %add3A_95 = arith.constant 2 : i32
        %add3A_96 = arith.addi %mul3A_42, %add3A_95 : i32
        %dma_start3A_97 = arith.constant 0 : i32
        %dma_start3A_98 = arith.constant 0 : i32
        %dma_start3A_99 = arith.constant 0 : i32
        %dma_start3A_100 = tpu.memref_slice %arg8[%dma_start3A_97, %dma_start3A_98, %dma_start3A_99] : memref<2x250x64xf32, #tpu.memory_space<vmem>> -> memref<1x250x64xf32, #tpu.memory_space<vmem>>
        %dma_start3A_101 = tpu.memref_squeeze %dma_start3A_100 : memref<1x250x64xf32, #tpu.memory_space<vmem>> -> memref<250x64xf32, #tpu.memory_space<vmem>>
        %dma_start3A_102 = arith.constant 0 : i32
        %dma_start3A_103 = tpu.memref_slice %arg6[%add3A_96, %dma_start3A_102] : memref<80x250xi32, #tpu.memory_space<vmem>> -> memref<1x250xi32, #tpu.memory_space<vmem>>
        %dma_start3A_104 = tpu.memref_squeeze %dma_start3A_103 : memref<1x250xi32, #tpu.memory_space<vmem>> -> memref<250xi32, #tpu.memory_space<vmem>>
        %dma_start3A_105 = arith.constant 0 : i32
        %dma_start3A_106 = arith.constant 0 : i32
        %dma_start3A_107 = tpu.memref_slice %arg2[%arg0, %dma_start3A_105, %dma_start3A_106] : memref<2x10000x64xf32, #tpu.memory_space<hbm>> -> memref<1x10000x64xf32, #tpu.memory_space<hbm>>
        %dma_start3A_108 = tpu.memref_squeeze %dma_start3A_107 : memref<1x10000x64xf32, #tpu.memory_space<hbm>> -> memref<10000x64xf32, #tpu.memory_space<hbm>>
        %dma_start3A_109 = arith.constant 0 : i32
        %dma_start3A_110 = arith.constant 0 : i32
        %dma_start3A_111 = tpu.memref_slice %dma_start3A_108[%dma_start3A_109, %dma_start3A_110] : memref<10000x64xf32, #tpu.memory_space<hbm>> -> memref<10000x64xf32, #tpu.memory_space<hbm>>
        tpu.enqueue_indirect_dma source(%dma_start3A_111 : memref<10000x64xf32, #tpu.memory_space<hbm>>) target(%dma_start3A_101 : memref<250x64xf32, #tpu.memory_space<vmem>>) offsets(%dma_start3A_104 : memref<250xi32, #tpu.memory_space<vmem>>) semaphore(%arg10 : memref<!tpu.dma_semaphore, #tpu.memory_space<semaphore_mem>>)
      } else {
      }
      %dma_wait3A_78 = arith.constant 1 : i32
      %dma_wait3A_79 = arith.constant 0 : i32
      %dma_wait3A_80 = arith.constant 0 : i32
      %dma_wait3A_81 = tpu.memref_slice %arg8[%dma_wait3A_78, %dma_wait3A_79, %dma_wait3A_80] : memref<2x250x64xf32, #tpu.memory_space<vmem>> -> memref<1x250x64xf32, #tpu.memory_space<vmem>>
      %dma_wait3A_82 = tpu.memref_squeeze %dma_wait3A_81 : memref<1x250x64xf32, #tpu.memory_space<vmem>> -> memref<250x64xf32, #tpu.memory_space<vmem>>
      %dma_wait3A_83 = arith.constant 0 : i32
      %dma_wait3A_84 = tpu.memref_slice %arg6[%add3A_43, %dma_wait3A_83] : memref<80x250xi32, #tpu.memory_space<vmem>> -> memref<1x250xi32, #tpu.memory_space<vmem>>
      %dma_wait3A_85 = tpu.memref_squeeze %dma_wait3A_84 : memref<1x250xi32, #tpu.memory_space<vmem>> -> memref<250xi32, #tpu.memory_space<vmem>>
      %dma_wait3A_86 = arith.constant 0 : i32
      %dma_wait3A_87 = arith.constant 0 : i32
      %dma_wait3A_88 = tpu.memref_slice %arg2[%arg0, %dma_wait3A_86, %dma_wait3A_87] : memref<2x10000x64xf32, #tpu.memory_space<hbm>> -> memref<1x10000x64xf32, #tpu.memory_space<hbm>>
      %dma_wait3A_89 = tpu.memref_squeeze %dma_wait3A_88 : memref<1x10000x64xf32, #tpu.memory_space<hbm>> -> memref<10000x64xf32, #tpu.memory_space<hbm>>
      %dma_wait3A_90 = arith.constant 0 : i32
      %dma_wait3A_91 = arith.constant 0 : i32
      %dma_wait3A_92 = tpu.memref_slice %dma_wait3A_89[%dma_wait3A_90, %dma_wait3A_91] : memref<10000x64xf32, #tpu.memory_space<hbm>> -> memref<10000x64xf32, #tpu.memory_space<hbm>>
      tpu.wait_indirect_dma semaphore(%arg11 : memref<!tpu.dma_semaphore, #tpu.memory_space<semaphore_mem>>) src(%dma_wait3A_92 : memref<10000x64xf32, #tpu.memory_space<hbm>>) dst(%dma_wait3A_82 : memref<250x64xf32, #tpu.memory_space<vmem>>)
      %run_scoped3A_93 = arith.constant 1 : i32
      "tpu.region"() ({
        %run_scoped3A_95 = tpu.sem_alloc : memref<!tpu.dma_semaphore, #tpu.memory_space<semaphore_mem>>
        %dma_start3A_96 = arith.constant 0 : i32
        %dma_start3A_97 = arith.constant 0 : i32
        %dma_start3A_98 = tpu.memref_slice %arg8[%run_scoped3A_93, %dma_start3A_96, %dma_start3A_97] : memref<2x250x64xf32, #tpu.memory_space<vmem>> -> memref<1x250x64xf32, #tpu.memory_space<vmem>>
        %dma_start3A_99 = tpu.memref_squeeze %dma_start3A_98 : memref<1x250x64xf32, #tpu.memory_space<vmem>> -> memref<250x64xf32, #tpu.memory_space<vmem>>
        %dma_start3A_100 = arith.constant 0 : i32
        %dma_start3A_101 = tpu.memref_slice %arg7[%add3A_43, %dma_start3A_100] : memref<80x250xi32, #tpu.memory_space<vmem>> -> memref<1x250xi32, #tpu.memory_space<vmem>>
        %dma_start3A_102 = tpu.memref_squeeze %dma_start3A_101 : memref<1x250xi32, #tpu.memory_space<vmem>> -> memref<250xi32, #tpu.memory_space<vmem>>
        %dma_start3A_103 = arith.constant 0 : i32
        %dma_start3A_104 = arith.constant 0 : i32
        %dma_start3A_105 = tpu.memref_slice %arg9[%dma_start3A_103, %dma_start3A_104] : memref<10000x64xf32, #tpu.memory_space<vmem_shared>> -> memref<10000x64xf32, #tpu.memory_space<vmem_shared>>
        tpu.enqueue_indirect_dma source(%dma_start3A_99 : memref<250x64xf32, #tpu.memory_space<vmem>>) target(%dma_start3A_105 : memref<10000x64xf32, #tpu.memory_space<vmem_shared>>) offsets(%dma_start3A_102 : memref<250xi32, #tpu.memory_space<vmem>>) semaphore(%run_scoped3A_95 : memref<!tpu.dma_semaphore, #tpu.memory_space<semaphore_mem>>) {add = true}
        %dma_wait3A_106 = arith.constant 0 : i32
        %dma_wait3A_107 = arith.constant 0 : i32
        %dma_wait3A_108 = tpu.memref_slice %arg8[%run_scoped3A_93, %dma_wait3A_106, %dma_wait3A_107] : memref<2x250x64xf32, #tpu.memory_space<vmem>> -> memref<1x250x64xf32, #tpu.memory_space<vmem>>
        %dma_wait3A_109 = tpu.memref_squeeze %dma_wait3A_108 : memref<1x250x64xf32, #tpu.memory_space<vmem>> -> memref<250x64xf32, #tpu.memory_space<vmem>>
        %dma_wait3A_110 = arith.constant 0 : i32
        %dma_wait3A_111 = tpu.memref_slice %arg7[%add3A_43, %dma_wait3A_110] : memref<80x250xi32, #tpu.memory_space<vmem>> -> memref<1x250xi32, #tpu.memory_space<vmem>>
        %dma_wait3A_112 = tpu.memref_squeeze %dma_wait3A_111 : memref<1x250xi32, #tpu.memory_space<vmem>> -> memref<250xi32, #tpu.memory_space<vmem>>
        %dma_wait3A_113 = arith.constant 0 : i32
        %dma_wait3A_114 = arith.constant 0 : i32
        %dma_wait3A_115 = tpu.memref_slice %arg9[%dma_wait3A_113, %dma_wait3A_114] : memref<10000x64xf32, #tpu.memory_space<vmem_shared>> -> memref<10000x64xf32, #tpu.memory_space<vmem_shared>>
        tpu.wait_indirect_dma semaphore(%run_scoped3A_95 : memref<!tpu.dma_semaphore, #tpu.memory_space<semaphore_mem>>) src(%dma_wait3A_109 : memref<250x64xf32, #tpu.memory_space<vmem>>) dst(%dma_wait3A_115 : memref<10000x64xf32, #tpu.memory_space<vmem_shared>>)
        tpu.yield
      }) : () -> ()
      %scan3A_94 = arith.constant 0 : i32
      scf.yield %scan3A_94 : i32
    }
    %scan3A_27 = arith.constant 40 : i32
    %barrier3A_28 = arith.constant 0 : index
    tpu.barrier barrier_id(%barrier3A_28)
    %lt3A_29 = arith.constant 15 : i32
    %lt3A_30 = arith.cmpi slt, %arg1, %lt3A_29 : i32
    %convert_element_type3A_31 = arith.extui %lt3A_30 : i1 to i32
    %cond3A_32 = arith.constant 0 : i32
    %cond3A_33 = arith.cmpi ne, %convert_element_type3A_31, %cond3A_32 : i32
    scf.if %cond3A_33 {
      "tpu.region"() ({
        %run_scoped3A = tpu.sem_alloc : memref<!tpu.dma_semaphore, #tpu.memory_space<semaphore_mem>>
        %dma_start3A_39 = arith.constant 0 : i32
        %dma_start3A_40 = tpu.memref_slice %arg5[%arg0, %mul3A_0, %dma_start3A_39] : memref<2x10000x64xf32, #tpu.memory_space<hbm>> -> memref<1x624x64xf32, #tpu.memory_space<hbm>>
        %dma_start3A_41 = tpu.memref_squeeze %dma_start3A_40 : memref<1x624x64xf32, #tpu.memory_space<hbm>> -> memref<624x64xf32, #tpu.memory_space<hbm>>
        %dma_start3A_42 = arith.constant 0 : i32
        %dma_start3A_43 = tpu.memref_slice %arg9[%mul3A_0, %dma_start3A_42] : memref<10000x64xf32, #tpu.memory_space<vmem_shared>> -> memref<624x64xf32, #tpu.memory_space<vmem_shared>>
        tpu.enqueue_dma source(%dma_start3A_43 : memref<624x64xf32, #tpu.memory_space<vmem_shared>>) target(%dma_start3A_41 : memref<624x64xf32, #tpu.memory_space<hbm>>) target_semaphore(%run_scoped3A : memref<!tpu.dma_semaphore, #tpu.memory_space<semaphore_mem>>)
        %dma_wait3A = arith.constant 0 : i32
        %dma_wait3A_44 = tpu.memref_slice %arg5[%arg0, %mul3A_0, %dma_wait3A] : memref<2x10000x64xf32, #tpu.memory_space<hbm>> -> memref<1x624x64xf32, #tpu.memory_space<hbm>>
        %dma_wait3A_45 = tpu.memref_squeeze %dma_wait3A_44 : memref<1x624x64xf32, #tpu.memory_space<hbm>> -> memref<624x64xf32, #tpu.memory_space<hbm>>
        %dma_wait3A_46 = arith.constant 0 : i32
        %dma_wait3A_47 = tpu.memref_slice %arg9[%mul3A_0, %dma_wait3A_46] : memref<10000x64xf32, #tpu.memory_space<vmem_shared>> -> memref<624x64xf32, #tpu.memory_space<vmem_shared>>
        tpu.wait_dma2 semaphore(%run_scoped3A : memref<!tpu.dma_semaphore, #tpu.memory_space<semaphore_mem>>) src(%dma_wait3A_47 : memref<624x64xf32, #tpu.memory_space<vmem_shared>>) dst(%dma_wait3A_45 : memref<624x64xf32, #tpu.memory_space<hbm>>)
        tpu.yield
      }) : () -> ()
    } else {
    }
    %eq3A_34 = arith.constant 15 : i32
    %eq3A_35 = arith.cmpi eq, %arg1, %eq3A_34 : i32
    %convert_element_type3A_36 = arith.extui %eq3A_35 : i1 to i32
    %cond3A_37 = arith.constant 0 : i32
    %cond3A_38 = arith.cmpi ne, %convert_element_type3A_36, %cond3A_37 : i32
    scf.if %cond3A_38 {
      "tpu.region"() ({
        %run_scoped3A = tpu.sem_alloc : memref<!tpu.dma_semaphore, #tpu.memory_space<semaphore_mem>>
        %dma_start3A_39 = arith.constant 9360 : i32
        %dma_start3A_40 = arith.constant 0 : i32
        %dma_start3A_41 = tpu.memref_slice %arg5[%arg0, %dma_start3A_39, %dma_start3A_40] : memref<2x10000x64xf32, #tpu.memory_space<hbm>> -> memref<1x640x64xf32, #tpu.memory_space<hbm>>
        %dma_start3A_42 = tpu.memref_squeeze %dma_start3A_41 : memref<1x640x64xf32, #tpu.memory_space<hbm>> -> memref<640x64xf32, #tpu.memory_space<hbm>>
        %dma_start3A_43 = arith.constant 9360 : i32
        %dma_start3A_44 = arith.constant 0 : i32
        %dma_start3A_45 = tpu.memref_slice %arg9[%dma_start3A_43, %dma_start3A_44] : memref<10000x64xf32, #tpu.memory_space<vmem_shared>> -> memref<640x64xf32, #tpu.memory_space<vmem_shared>>
        tpu.enqueue_dma source(%dma_start3A_45 : memref<640x64xf32, #tpu.memory_space<vmem_shared>>) target(%dma_start3A_42 : memref<640x64xf32, #tpu.memory_space<hbm>>) target_semaphore(%run_scoped3A : memref<!tpu.dma_semaphore, #tpu.memory_space<semaphore_mem>>)
        %dma_wait3A = arith.constant 9360 : i32
        %dma_wait3A_46 = arith.constant 0 : i32
        %dma_wait3A_47 = tpu.memref_slice %arg5[%arg0, %dma_wait3A, %dma_wait3A_46] : memref<2x10000x64xf32, #tpu.memory_space<hbm>> -> memref<1x640x64xf32, #tpu.memory_space<hbm>>
        %dma_wait3A_48 = tpu.memref_squeeze %dma_wait3A_47 : memref<1x640x64xf32, #tpu.memory_space<hbm>> -> memref<640x64xf32, #tpu.memory_space<hbm>>
        %dma_wait3A_49 = arith.constant 9360 : i32
        %dma_wait3A_50 = arith.constant 0 : i32
        %dma_wait3A_51 = tpu.memref_slice %arg9[%dma_wait3A_49, %dma_wait3A_50] : memref<10000x64xf32, #tpu.memory_space<vmem_shared>> -> memref<640x64xf32, #tpu.memory_space<vmem_shared>>
        tpu.wait_dma2 semaphore(%run_scoped3A : memref<!tpu.dma_semaphore, #tpu.memory_space<semaphore_mem>>) src(%dma_wait3A_51 : memref<640x64xf32, #tpu.memory_space<vmem_shared>>) dst(%dma_wait3A_48 : memref<640x64xf32, #tpu.memory_space<hbm>>)
        tpu.yield
      }) : () -> ()
    } else {
    }
    return
  }
}

module attributes {stable_mosaic.version = 14 : i64} {
  func.func @_tc1_body(%arg0: i32, %arg1: memref<2000x128xf32, #tpu.memory_space<vmem>>, %arg2: memref<128x128xf32, #tpu.memory_space<vmem>>, %arg3: memref<2x2000x16xf32, #tpu.memory_space<vmem>>, %arg4: memref<2x2000x64xf32, #tpu.memory_space<vmem>>) attributes {dimension_semantics = [#tpu.dimension_semantics<arbitrary>], iteration_bounds = array<i64: 5>, scalar_prefetch = 0 : i64, scratch_operands = 0 : i64, tpu.core_type = #tpu.core_type<tc>, window_params = [{transform_indices = @transform_0, window_bounds = array<i64: 2000, 128>}, {pipeline_mode = #tpu.pipeline_mode<synchronous>, transform_indices = @transform_1, window_bounds = array<i64: 128, 128>}, {transform_indices = @transform_2, window_bounds = array<i64: 2, 2000, 16>}, {transform_indices = @transform_3, window_bounds = array<i64: 2, 2000, 64>}]} {
    %get3A = arith.constant 0 : index
    %get3A_0 = arith.constant 0 : index
    %get3A_1 = arith.constant 0 : index
    %get3A_2 = vector.load %arg3[%get3A, %get3A_0, %get3A_1] : memref<2x2000x16xf32, #tpu.memory_space<vmem>>, vector<2x2000x16xf32>
    %reduce_sum3A = arith.constant dense<0.000000e+00> : vector<2x2000xf32>
    %reduce_sum3A_3 = vector.multi_reduction <add>, %get3A_2, %reduce_sum3A [2] : vector<2x2000x16xf32> to vector<2x2000xf32>
    %reduce_sum3A_4 = arith.constant dense<0.000000e+00> : vector<2000xf32>
    %reduce_sum3A_5 = vector.multi_reduction <add>, %reduce_sum3A_3, %reduce_sum3A_4 [0] : vector<2x2000xf32> to vector<2000xf32>
    %mul3A = arith.constant 6.250000e-02 : f32
    %mul3A_6 = vector.broadcast %mul3A : f32 to vector<2000xf32>
    %mul3A_7 = arith.mulf %reduce_sum3A_5, %mul3A_6 : vector<2000xf32>
    %add3A = arith.constant 1.000000e+00 : f32
    %add3A_8 = vector.broadcast %add3A : f32 to vector<2000xf32>
    %add3A_9 = arith.addf %mul3A_7, %add3A_8 : vector<2000xf32>
    %rsqrt3A = math.rsqrt %add3A_9 : vector<2000xf32>
    %get3A_10 = arith.constant 0 : index
    %get3A_11 = arith.constant 0 : index
    %get3A_12 = vector.load %arg1[%get3A_10, %get3A_11] : memref<2000x128xf32, #tpu.memory_space<vmem>>, vector<2000x128xf32>
    %get3A_13 = arith.constant 0 : index
    %get3A_14 = arith.constant 0 : index
    %get3A_15 = vector.load %arg2[%get3A_13, %get3A_14] : memref<128x128xf32, #tpu.memory_space<vmem>>, vector<128x128xf32>
    %dot_general3A = arith.constant dense<0.000000e+00> : vector<2000x128xf32>
    %dot_general3A_16 = tpu.matmul %get3A_12, %get3A_15, %dot_general3A {dimension_numbers = #tpu.dot_dimension_numbers<[1], [0], [0], [1], [0, 0, 1, 1], [], []>, transpose_lhs_hint = false} : vector<2000x128xf32>, vector<128x128xf32>, vector<2000x128xf32> -> vector<2000x128xf32>
    %broadcast_in_dim3A = vector.shape_cast %rsqrt3A : vector<2000xf32> to vector<2000x1xf32>
    %mul3A_17 = vector.broadcast %broadcast_in_dim3A : vector<2000x1xf32> to vector<2000x128xf32>
    %mul3A_18 = arith.mulf %dot_general3A_16, %mul3A_17 : vector<2000x128xf32>
    %slice3A = vector.extract_strided_slice %mul3A_18 {offsets = [0, 0], sizes = [2000, 64], strides = [1, 1]} : vector<2000x128xf32> to vector<2000x64xf32>
    %swap3A = arith.constant 0 : index
    %swap3A_19 = arith.constant 0 : index
    %swap3A_20 = arith.constant 0 : index
    %swap3A_21 = vector.load %arg4[%swap3A, %swap3A_19, %swap3A_20] : memref<2x2000x64xf32, #tpu.memory_space<vmem>>, vector<1x2000x64xf32>
    %swap3A_22 = vector.shape_cast %swap3A_21 : vector<1x2000x64xf32> to vector<2000x64xf32>
    %swap3A_23 = vector.shape_cast %slice3A : vector<2000x64xf32> to vector<1x2000x64xf32>
    tpu.vector_store %arg4[%swap3A, %swap3A_19, %swap3A_20], %swap3A_23 {strides = array<i32>} : memref<2x2000x64xf32, #tpu.memory_space<vmem>>, vector<1x2000x64xf32>,
    %slice3A_24 = vector.extract_strided_slice %mul3A_18 {offsets = [0, 64], sizes = [2000, 64], strides = [1, 1]} : vector<2000x128xf32> to vector<2000x64xf32>
    %swap3A_25 = arith.constant 1 : index
    %swap3A_26 = arith.constant 0 : index
    %swap3A_27 = arith.constant 0 : index
    %swap3A_28 = vector.load %arg4[%swap3A_25, %swap3A_26, %swap3A_27] : memref<2x2000x64xf32, #tpu.memory_space<vmem>>, vector<1x2000x64xf32>
    %swap3A_29 = vector.shape_cast %swap3A_28 : vector<1x2000x64xf32> to vector<2000x64xf32>
    %swap3A_30 = vector.shape_cast %slice3A_24 : vector<2000x64xf32> to vector<1x2000x64xf32>
    tpu.vector_store %arg4[%swap3A_25, %swap3A_26, %swap3A_27], %swap3A_30 {strides = array<i32>} : memref<2x2000x64xf32, #tpu.memory_space<vmem>>, vector<1x2000x64xf32>,
    return
  }
  func.func @transform_0(%arg0: i32) -> (i32, i32) {
    %c0_i32 = arith.constant 0 : i32
    %c0_i32_0 = arith.constant 0 : i32
    return %arg0, %c0_i32 : i32, i32
  }
  func.func @transform_1(%arg0: i32) -> (i32, i32) {
    %c0_i32 = arith.constant 0 : i32
    %c0_i32_0 = arith.constant 0 : i32
    %c0_i32_1 = arith.constant 0 : i32
    return %c0_i32, %c0_i32_0 : i32, i32
  }
  func.func @transform_2(%arg0: i32) -> (i32, i32, i32) {
    %c0_i32 = arith.constant 0 : i32
    %c0_i32_0 = arith.constant 0 : i32
    %c0_i32_1 = arith.constant 0 : i32
    return %c0_i32, %arg0, %c0_i32_0 : i32, i32, i32
  }
  func.func @transform_3(%arg0: i32) -> (i32, i32, i32) {
    %c0_i32 = arith.constant 0 : i32
    %c0_i32_0 = arith.constant 0 : i32
    %c0_i32_1 = arith.constant 0 : i32
    return %c0_i32, %arg0, %c0_i32_0 : i32, i32, i32
  }
}

module attributes {stable_mosaic.version = 14 : i64} {
  func.func @_tc2_body(%arg0: i32, %arg1: memref<2x2000x64xf32, #tpu.memory_space<vmem>>, %arg2: memref<2x2000x16xf32, #tpu.memory_space<vmem>>, %arg3: memref<1x128xf32, #tpu.memory_space<vmem>>, %arg4: memref<128x128xf32, #tpu.memory_space<vmem>>, %arg5: memref<2x2000x64xf32, #tpu.memory_space<vmem>>) attributes {dimension_semantics = [#tpu.dimension_semantics<arbitrary>], iteration_bounds = array<i64: 5>, scalar_prefetch = 0 : i64, scratch_operands = 0 : i64, tpu.core_type = #tpu.core_type<tc>, window_params = [{transform_indices = @transform_0, window_bounds = array<i64: 2, 2000, 64>}, {transform_indices = @transform_1, window_bounds = array<i64: 2, 2000, 16>}, {pipeline_mode = #tpu.pipeline_mode<synchronous>, transform_indices = @transform_2, window_bounds = array<i64: 1, 128>}, {pipeline_mode = #tpu.pipeline_mode<synchronous>, transform_indices = @transform_3, window_bounds = array<i64: 128, 128>}, {transform_indices = @transform_4, window_bounds = array<i64: 2, 2000, 64>}]} {
    %get3A = arith.constant 0 : index
    %get3A_0 = arith.constant 0 : index
    %get3A_1 = arith.constant 0 : index
    %get3A_2 = vector.load %arg2[%get3A, %get3A_0, %get3A_1] : memref<2x2000x16xf32, #tpu.memory_space<vmem>>, vector<2x2000x16xf32>
    %reduce_sum3A = arith.constant dense<0.000000e+00> : vector<2x2000xf32>
    %reduce_sum3A_3 = vector.multi_reduction <add>, %get3A_2, %reduce_sum3A [2] : vector<2x2000x16xf32> to vector<2x2000xf32>
    %reduce_sum3A_4 = arith.constant dense<0.000000e+00> : vector<2000xf32>
    %reduce_sum3A_5 = vector.multi_reduction <add>, %reduce_sum3A_3, %reduce_sum3A_4 [0] : vector<2x2000xf32> to vector<2000xf32>
    %mul3A = arith.constant 6.250000e-02 : f32
    %mul3A_6 = vector.broadcast %mul3A : f32 to vector<2000xf32>
    %mul3A_7 = arith.mulf %reduce_sum3A_5, %mul3A_6 : vector<2000xf32>
    %add3A = arith.constant 1.000000e+00 : f32
    %add3A_8 = vector.broadcast %add3A : f32 to vector<2000xf32>
    %add3A_9 = arith.addf %mul3A_7, %add3A_8 : vector<2000xf32>
    %rsqrt3A = math.rsqrt %add3A_9 : vector<2000xf32>
    %get3A_10 = arith.constant 0 : index
    %get3A_11 = arith.constant 0 : index
    %get3A_12 = arith.constant 0 : index
    %get3A_13 = vector.load %arg1[%get3A_10, %get3A_11, %get3A_12] : memref<2x2000x64xf32, #tpu.memory_space<vmem>>, vector<1x2000x64xf32>
    %get3A_14 = vector.shape_cast %get3A_13 : vector<1x2000x64xf32> to vector<2000x64xf32>
    %get3A_15 = arith.constant 1 : index
    %get3A_16 = arith.constant 0 : index
    %get3A_17 = arith.constant 0 : index
    %get3A_18 = vector.load %arg1[%get3A_15, %get3A_16, %get3A_17] : memref<2x2000x64xf32, #tpu.memory_space<vmem>>, vector<1x2000x64xf32>
    %get3A_19 = vector.shape_cast %get3A_18 : vector<1x2000x64xf32> to vector<2000x64xf32>
    %concatenate3A = tpu.concatenate %get3A_14, %get3A_19 in 1 : vector<2000x64xf32>, vector<2000x64xf32> -> vector<2000x128xf32>
    %broadcast_in_dim3A = vector.shape_cast %rsqrt3A : vector<2000xf32> to vector<2000x1xf32>
    %mul3A_20 = vector.broadcast %broadcast_in_dim3A : vector<2000x1xf32> to vector<2000x128xf32>
    %mul3A_21 = arith.mulf %concatenate3A, %mul3A_20 : vector<2000x128xf32>
    %get3A_22 = arith.constant 0 : index
    %get3A_23 = arith.constant 0 : index
    %get3A_24 = vector.load %arg3[%get3A_22, %get3A_23] : memref<1x128xf32, #tpu.memory_space<vmem>>, vector<1x128xf32>
    %add3A_25 = vector.broadcast %get3A_24 : vector<1x128xf32> to vector<2000x128xf32>
    %add3A_26 = arith.addf %mul3A_21, %add3A_25 : vector<2000x128xf32>
    %max3A = arith.constant 0.000000e+00 : f32
    %max3A_27 = vector.broadcast %max3A : f32 to vector<2000x128xf32>
    %max3A_28 = arith.maximumf %add3A_26, %max3A_27 : vector<2000x128xf32>
    %get3A_29 = arith.constant 0 : index
    %get3A_30 = arith.constant 0 : index
    %get3A_31 = vector.load %arg4[%get3A_29, %get3A_30] : memref<128x128xf32, #tpu.memory_space<vmem>>, vector<128x128xf32>
    %dot_general3A = arith.constant dense<0.000000e+00> : vector<2000x128xf32>
    %dot_general3A_32 = tpu.matmul %max3A_28, %get3A_31, %dot_general3A {dimension_numbers = #tpu.dot_dimension_numbers<[1], [0], [0], [1], [0, 0, 1, 1], [], []>, transpose_lhs_hint = false} : vector<2000x128xf32>, vector<128x128xf32>, vector<2000x128xf32> -> vector<2000x128xf32>
    %broadcast_in_dim3A_33 = vector.shape_cast %rsqrt3A : vector<2000xf32> to vector<2000x1xf32>
    %mul3A_34 = vector.broadcast %broadcast_in_dim3A_33 : vector<2000x1xf32> to vector<2000x128xf32>
    %mul3A_35 = arith.mulf %dot_general3A_32, %mul3A_34 : vector<2000x128xf32>
    %slice3A = vector.extract_strided_slice %mul3A_35 {offsets = [0, 0], sizes = [2000, 64], strides = [1, 1]} : vector<2000x128xf32> to vector<2000x64xf32>
    %swap3A = arith.constant 0 : index
    %swap3A_36 = arith.constant 0 : index
    %swap3A_37 = arith.constant 0 : index
    %swap3A_38 = vector.load %arg5[%swap3A, %swap3A_36, %swap3A_37] : memref<2x2000x64xf32, #tpu.memory_space<vmem>>, vector<1x2000x64xf32>
    %swap3A_39 = vector.shape_cast %swap3A_38 : vector<1x2000x64xf32> to vector<2000x64xf32>
    %swap3A_40 = vector.shape_cast %slice3A : vector<2000x64xf32> to vector<1x2000x64xf32>
    tpu.vector_store %arg5[%swap3A, %swap3A_36, %swap3A_37], %swap3A_40 {strides = array<i32>} : memref<2x2000x64xf32, #tpu.memory_space<vmem>>, vector<1x2000x64xf32>,
    %slice3A_41 = vector.extract_strided_slice %mul3A_35 {offsets = [0, 64], sizes = [2000, 64], strides = [1, 1]} : vector<2000x128xf32> to vector<2000x64xf32>
    %swap3A_42 = arith.constant 1 : index
    %swap3A_43 = arith.constant 0 : index
    %swap3A_44 = arith.constant 0 : index
    %swap3A_45 = vector.load %arg5[%swap3A_42, %swap3A_43, %swap3A_44] : memref<2x2000x64xf32, #tpu.memory_space<vmem>>, vector<1x2000x64xf32>
    %swap3A_46 = vector.shape_cast %swap3A_45 : vector<1x2000x64xf32> to vector<2000x64xf32>
    %swap3A_47 = vector.shape_cast %slice3A_41 : vector<2000x64xf32> to vector<1x2000x64xf32>
    tpu.vector_store %arg5[%swap3A_42, %swap3A_43, %swap3A_44], %swap3A_47 {strides = array<i32>} : memref<2x2000x64xf32, #tpu.memory_space<vmem>>, vector<1x2000x64xf32>,
    return
  }
  func.func @transform_0(%arg0: i32) -> (i32, i32, i32) {
    %c0_i32 = arith.constant 0 : i32
    %c0_i32_0 = arith.constant 0 : i32
    %c0_i32_1 = arith.constant 0 : i32
    return %c0_i32, %arg0, %c0_i32_0 : i32, i32, i32
  }
  func.func @transform_1(%arg0: i32) -> (i32, i32, i32) {
    %c0_i32 = arith.constant 0 : i32
    %c0_i32_0 = arith.constant 0 : i32
    %c0_i32_1 = arith.constant 0 : i32
    return %c0_i32, %arg0, %c0_i32_0 : i32, i32, i32
  }
  func.func @transform_2(%arg0: i32) -> (i32, i32) {
    %c0_i32 = arith.constant 0 : i32
    %c0_i32_0 = arith.constant 0 : i32
    %c0_i32_1 = arith.constant 0 : i32
    return %c0_i32, %c0_i32_0 : i32, i32
  }
  func.func @transform_3(%arg0: i32) -> (i32, i32) {
    %c0_i32 = arith.constant 0 : i32
    %c0_i32_0 = arith.constant 0 : i32
    %c0_i32_1 = arith.constant 0 : i32
    return %c0_i32, %c0_i32_0 : i32, i32
  }
  func.func @transform_4(%arg0: i32) -> (i32, i32, i32) {
    %c0_i32 = arith.constant 0 : i32
    %c0_i32_0 = arith.constant 0 : i32
    %c0_i32_1 = arith.constant 0 : i32
    return %c0_i32, %arg0, %c0_i32_0 : i32, i32, i32
  }
}

module attributes {stable_mosaic.version = 14 : i64} {
  func.func @_tc3_body(%arg0: i32, %arg1: memref<2x2000x64xf32, #tpu.memory_space<vmem>>, %arg2: memref<2x2000x16xf32, #tpu.memory_space<vmem>>, %arg3: memref<1x128xf32, #tpu.memory_space<vmem>>, %arg4: memref<1x1x2000xi32, #tpu.memory_space<vmem>>, %arg5: memref<128x10xf32, #tpu.memory_space<vmem>>, %arg6: memref<1x10xf32, #tpu.memory_space<vmem>>, %arg7: memref<64x10xf32, #tpu.memory_space<vmem>>, %arg8: memref<64x128xf32, #tpu.memory_space<vmem>>, %arg9: memref<64x128xf32, #tpu.memory_space<vmem>>) attributes {dimension_semantics = [#tpu.dimension_semantics<arbitrary>], iteration_bounds = array<i64: 5>, scalar_prefetch = 0 : i64, scratch_operands = 2 : i64, tpu.core_type = #tpu.core_type<tc>, window_params = [{transform_indices = @transform_0, window_bounds = array<i64: 2, 2000, 64>}, {transform_indices = @transform_1, window_bounds = array<i64: 2, 2000, 16>}, {pipeline_mode = #tpu.pipeline_mode<synchronous>, transform_indices = @transform_2, window_bounds = array<i64: 1, 128>}, {transform_indices = @transform_3, window_bounds = array<i64: 1, 1, 2000>}, {pipeline_mode = #tpu.pipeline_mode<synchronous>, transform_indices = @transform_4, window_bounds = array<i64: 128, 10>}, {pipeline_mode = #tpu.pipeline_mode<synchronous>, transform_indices = @transform_5, window_bounds = array<i64: 1, 10>}, {pipeline_mode = #tpu.pipeline_mode<synchronous>, transform_indices = @transform_6, window_bounds = array<i64: 64, 10>}]} {
    %eq3A = arith.constant 0 : i32
    %eq3A_0 = arith.cmpi eq, %arg0, %eq3A : i32
    %convert_element_type3A = arith.extui %eq3A_0 : i1 to i32
    %cond3A = arith.constant 0 : i32
    %cond3A_1 = arith.cmpi ne, %convert_element_type3A, %cond3A : i32
    scf.if %cond3A_1 {
      %broadcast_in_dim3A_62 = arith.constant 0.000000e+00 : f32
      %broadcast_in_dim3A_63 = vector.broadcast %broadcast_in_dim3A_62 : f32 to vector<64x128xf32>
      %swap3A_64 = arith.constant 0 : index
      %swap3A_65 = arith.constant 0 : index
      %swap3A_66 = vector.load %arg8[%swap3A_64, %swap3A_65] : memref<64x128xf32, #tpu.memory_space<vmem>>, vector<64x128xf32>
      tpu.vector_store %arg8[%swap3A_64, %swap3A_65], %broadcast_in_dim3A_63 {strides = array<i32>} : memref<64x128xf32, #tpu.memory_space<vmem>>, vector<64x128xf32>,
      %broadcast_in_dim3A_67 = arith.constant 0.000000e+00 : f32
      %broadcast_in_dim3A_68 = vector.broadcast %broadcast_in_dim3A_67 : f32 to vector<64x128xf32>
      %swap3A_69 = arith.constant 0 : index
      %swap3A_70 = arith.constant 0 : index
      %swap3A_71 = vector.load %arg9[%swap3A_69, %swap3A_70] : memref<64x128xf32, #tpu.memory_space<vmem>>, vector<64x128xf32>
      tpu.vector_store %arg9[%swap3A_69, %swap3A_70], %broadcast_in_dim3A_68 {strides = array<i32>} : memref<64x128xf32, #tpu.memory_space<vmem>>, vector<64x128xf32>,
    } else {
    }
    %get3A = arith.constant 0 : index
    %get3A_2 = arith.constant 0 : index
    %get3A_3 = arith.constant 0 : index
    %get3A_4 = vector.load %arg2[%get3A, %get3A_2, %get3A_3] : memref<2x2000x16xf32, #tpu.memory_space<vmem>>, vector<2x2000x16xf32>
    %reduce_sum3A = arith.constant dense<0.000000e+00> : vector<2x2000xf32>
    %reduce_sum3A_5 = vector.multi_reduction <add>, %get3A_4, %reduce_sum3A [2] : vector<2x2000x16xf32> to vector<2x2000xf32>
    %reduce_sum3A_6 = arith.constant dense<0.000000e+00> : vector<2000xf32>
    %reduce_sum3A_7 = vector.multi_reduction <add>, %reduce_sum3A_5, %reduce_sum3A_6 [0] : vector<2x2000xf32> to vector<2000xf32>
    %mul3A = arith.constant 6.250000e-02 : f32
    %mul3A_8 = vector.broadcast %mul3A : f32 to vector<2000xf32>
    %mul3A_9 = arith.mulf %reduce_sum3A_7, %mul3A_8 : vector<2000xf32>
    %add3A = arith.constant 1.000000e+00 : f32
    %add3A_10 = vector.broadcast %add3A : f32 to vector<2000xf32>
    %add3A_11 = arith.addf %mul3A_9, %add3A_10 : vector<2000xf32>
    %rsqrt3A = math.rsqrt %add3A_11 : vector<2000xf32>
    %get3A_12 = arith.constant 0 : index
    %get3A_13 = arith.constant 0 : index
    %get3A_14 = arith.constant 0 : index
    %get3A_15 = vector.load %arg1[%get3A_12, %get3A_13, %get3A_14] : memref<2x2000x64xf32, #tpu.memory_space<vmem>>, vector<1x2000x64xf32>
    %get3A_16 = vector.shape_cast %get3A_15 : vector<1x2000x64xf32> to vector<2000x64xf32>
    %get3A_17 = arith.constant 1 : index
    %get3A_18 = arith.constant 0 : index
    %get3A_19 = arith.constant 0 : index
    %get3A_20 = vector.load %arg1[%get3A_17, %get3A_18, %get3A_19] : memref<2x2000x64xf32, #tpu.memory_space<vmem>>, vector<1x2000x64xf32>
    %get3A_21 = vector.shape_cast %get3A_20 : vector<1x2000x64xf32> to vector<2000x64xf32>
    %concatenate3A = tpu.concatenate %get3A_16, %get3A_21 in 1 : vector<2000x64xf32>, vector<2000x64xf32> -> vector<2000x128xf32>
    %broadcast_in_dim3A = vector.shape_cast %rsqrt3A : vector<2000xf32> to vector<2000x1xf32>
    %mul3A_22 = vector.broadcast %broadcast_in_dim3A : vector<2000x1xf32> to vector<2000x128xf32>
    %mul3A_23 = arith.mulf %concatenate3A, %mul3A_22 : vector<2000x128xf32>
    %get3A_24 = arith.constant 0 : index
    %get3A_25 = arith.constant 0 : index
    %get3A_26 = vector.load %arg3[%get3A_24, %get3A_25] : memref<1x128xf32, #tpu.memory_space<vmem>>, vector<1x128xf32>
    %add3A_27 = vector.broadcast %get3A_26 : vector<1x128xf32> to vector<2000x128xf32>
    %add3A_28 = arith.addf %mul3A_23, %add3A_27 : vector<2000x128xf32>
    %get3A_29 = arith.constant 0 : index
    %get3A_30 = arith.constant 0 : index
    %get3A_31 = arith.constant 0 : index
    %get3A_32 = vector.load %arg4[%get3A_29, %get3A_30, %get3A_31] : memref<1x1x2000xi32, #tpu.memory_space<vmem>>, vector<1x1x2000xi32>
    %get3A_33 = vector.shape_cast %get3A_32 : vector<1x1x2000xi32> to vector<1x2000xi32>
    %iota3A = tpu.iota {dimensions = array<i32: 0>} : vector<64x1xi32>
    %eq3A_34 = vector.broadcast %iota3A : vector<64x1xi32> to vector<64x2000xi32>
    %eq3A_35 = vector.broadcast %get3A_33 : vector<1x2000xi32> to vector<64x2000xi32>
    %eq3A_36 = arith.cmpi eq, %eq3A_34, %eq3A_35 : vector<64x2000xi32>
    %convert_element_type3A_37 = arith.extui %eq3A_36 : vector<64x2000xi1> to vector<64x2000xi32>
    %convert_element_type3A_38 = arith.sitofp %convert_element_type3A_37 : vector<64x2000xi32> to vector<64x2000xf32>
    %get3A_39 = arith.constant 0 : index
    %get3A_40 = arith.constant 0 : index
    %get3A_41 = vector.load %arg8[%get3A_39, %get3A_40] : memref<64x128xf32, #tpu.memory_space<vmem>>, vector<64x128xf32>
    %dot_general3A = arith.constant dense<0.000000e+00> : vector<64x128xf32>
    %dot_general3A_42 = tpu.matmul %convert_element_type3A_38, %add3A_28, %dot_general3A {dimension_numbers = #tpu.dot_dimension_numbers<[1], [0], [0], [1], [0, 0, 1, 1], [], []>, transpose_lhs_hint = false} : vector<64x2000xf32>, vector<2000x128xf32>, vector<64x128xf32> -> vector<64x128xf32>
    %add3A_43 = arith.addf %get3A_41, %dot_general3A_42 : vector<64x128xf32>
    %swap3A = arith.constant 0 : index
    %swap3A_44 = arith.constant 0 : index
    %swap3A_45 = vector.load %arg8[%swap3A, %swap3A_44] : memref<64x128xf32, #tpu.memory_space<vmem>>, vector<64x128xf32>
    tpu.vector_store %arg8[%swap3A, %swap3A_44], %add3A_43 {strides = array<i32>} : memref<64x128xf32, #tpu.memory_space<vmem>>, vector<64x128xf32>,
    %get3A_46 = arith.constant 0 : index
    %get3A_47 = arith.constant 0 : index
    %get3A_48 = vector.load %arg9[%get3A_46, %get3A_47] : memref<64x128xf32, #tpu.memory_space<vmem>>, vector<64x128xf32>
    %reduce_sum3A_49 = arith.constant dense<0.000000e+00> : vector<64xf32>
    %reduce_sum3A_50 = vector.multi_reduction <add>, %convert_element_type3A_38, %reduce_sum3A_49 [1] : vector<64x2000xf32> to vector<64xf32>
    %broadcast_in_dim3A_51 = vector.shape_cast %reduce_sum3A_50 : vector<64xf32> to vector<64x1xf32>
    %add3A_52 = vector.broadcast %broadcast_in_dim3A_51 : vector<64x1xf32> to vector<64x128xf32>
    %add3A_53 = arith.addf %get3A_48, %add3A_52 : vector<64x128xf32>
    %swap3A_54 = arith.constant 0 : index
    %swap3A_55 = arith.constant 0 : index
    %swap3A_56 = vector.load %arg9[%swap3A_54, %swap3A_55] : memref<64x128xf32, #tpu.memory_space<vmem>>, vector<64x128xf32>
    tpu.vector_store %arg9[%swap3A_54, %swap3A_55], %add3A_53 {strides = array<i32>} : memref<64x128xf32, #tpu.memory_space<vmem>>, vector<64x128xf32>,
    %eq3A_57 = arith.constant 4 : i32
    %eq3A_58 = arith.cmpi eq, %arg0, %eq3A_57 : i32
    %convert_element_type3A_59 = arith.extui %eq3A_58 : i1 to i32
    %cond3A_60 = arith.constant 0 : i32
    %cond3A_61 = arith.cmpi ne, %convert_element_type3A_59, %cond3A_60 : i32
    scf.if %cond3A_61 {
      %get3A_62 = arith.constant 0 : index
      %get3A_63 = arith.constant 0 : index
      %get3A_64 = vector.load %arg9[%get3A_62, %get3A_63] : memref<64x128xf32, #tpu.memory_space<vmem>>, vector<64x1xf32>
      %get3A_65 = arith.constant 0 : index
      %get3A_66 = arith.constant 0 : index
      %get3A_67 = vector.load %arg8[%get3A_65, %get3A_66] : memref<64x128xf32, #tpu.memory_space<vmem>>, vector<64x128xf32>
      %max3A = arith.constant 1.000000e+00 : f32
      %max3A_68 = vector.broadcast %max3A : f32 to vector<64x1xf32>
      %max3A_69 = arith.maximumf %get3A_64, %max3A_68 : vector<64x1xf32>
      %div3A = vector.broadcast %max3A_69 : vector<64x1xf32> to vector<64x128xf32>
      %div3A_70 = arith.divf %get3A_67, %div3A : vector<64x128xf32>
      %get3A_71 = arith.constant 0 : index
      %get3A_72 = arith.constant 0 : index
      %get3A_73 = vector.load %arg5[%get3A_71, %get3A_72] : memref<128x10xf32, #tpu.memory_space<vmem>>, vector<128x10xf32>
      %dot_general3A_74 = arith.constant dense<0.000000e+00> : vector<64x10xf32>
      %dot_general3A_75 = tpu.matmul %div3A_70, %get3A_73, %dot_general3A_74 {dimension_numbers = #tpu.dot_dimension_numbers<[1], [0], [0], [1], [0, 0, 1, 1], [], []>, transpose_lhs_hint = false} : vector<64x128xf32>, vector<128x10xf32>, vector<64x10xf32> -> vector<64x10xf32>
      %get3A_76 = arith.constant 0 : index
      %get3A_77 = arith.constant 0 : index
      %get3A_78 = vector.load %arg6[%get3A_76, %get3A_77] : memref<1x10xf32, #tpu.memory_space<vmem>>, vector<1x10xf32>
      %add3A_79 = vector.broadcast %get3A_78 : vector<1x10xf32> to vector<64x10xf32>
      %add3A_80 = arith.addf %dot_general3A_75, %add3A_79 : vector<64x10xf32>
      %reduce_max3A = arith.constant dense<0xFF800000> : vector<64xf32>
      %reduce_max3A_81 = vector.multi_reduction <maximumf>, %add3A_80, %reduce_max3A [1] : vector<64x10xf32> to vector<64xf32>
      %broadcast_in_dim3A_82 = vector.shape_cast %reduce_max3A_81 : vector<64xf32> to vector<64x1xf32>
      %sub3A = vector.broadcast %broadcast_in_dim3A_82 : vector<64x1xf32> to vector<64x10xf32>
      %sub3A_83 = arith.subf %add3A_80, %sub3A : vector<64x10xf32>
      %exp3A = math.exp %sub3A_83 : vector<64x10xf32>
      %reduce_sum3A_84 = arith.constant dense<0.000000e+00> : vector<64xf32>
      %reduce_sum3A_85 = vector.multi_reduction <add>, %exp3A, %reduce_sum3A_84 [1] : vector<64x10xf32> to vector<64xf32>
      %broadcast_in_dim3A_86 = vector.shape_cast %reduce_sum3A_85 : vector<64xf32> to vector<64x1xf32>
      %sub3A_87 = vector.broadcast %broadcast_in_dim3A_82 : vector<64x1xf32> to vector<64x10xf32>
      %sub3A_88 = arith.subf %add3A_80, %sub3A_87 : vector<64x10xf32>
      %log3A = math.log %broadcast_in_dim3A_86 : vector<64x1xf32>
      %sub3A_89 = vector.broadcast %log3A : vector<64x1xf32> to vector<64x10xf32>
      %sub3A_90 = arith.subf %sub3A_88, %sub3A_89 : vector<64x10xf32>
      %swap3A_91 = arith.constant 0 : index
      %swap3A_92 = arith.constant 0 : index
      %swap3A_93 = vector.load %arg7[%swap3A_91, %swap3A_92] : memref<64x10xf32, #tpu.memory_space<vmem>>, vector<64x10xf32>
      tpu.vector_store %arg7[%swap3A_91, %swap3A_92], %sub3A_90 {strides = array<i32>} : memref<64x10xf32, #tpu.memory_space<vmem>>, vector<64x10xf32>,
    } else {
    }
    return
  }
  func.func @transform_0(%arg0: i32) -> (i32, i32, i32) {
    %c0_i32 = arith.constant 0 : i32
    %c0_i32_0 = arith.constant 0 : i32
    %c0_i32_1 = arith.constant 0 : i32
    return %c0_i32, %arg0, %c0_i32_0 : i32, i32, i32
  }
  func.func @transform_1(%arg0: i32) -> (i32, i32, i32) {
    %c0_i32 = arith.constant 0 : i32
    %c0_i32_0 = arith.constant 0 : i32
    %c0_i32_1 = arith.constant 0 : i32
    return %c0_i32, %arg0, %c0_i32_0 : i32, i32, i32
  }
  func.func @transform_2(%arg0: i32) -> (i32, i32) {
    %c0_i32 = arith.constant 0 : i32
    %c0_i32_0 = arith.constant 0 : i32
    %c0_i32_1 = arith.constant 0 : i32
    return %c0_i32, %c0_i32_0 : i32, i32
  }
  func.func @transform_3(%arg0: i32) -> (i32, i32, i32) {
    %c0_i32 = arith.constant 0 : i32
    %c0_i32_0 = arith.constant 0 : i32
    %c0_i32_1 = arith.constant 0 : i32
    return %arg0, %c0_i32, %c0_i32_0 : i32, i32, i32
  }
  func.func @transform_4(%arg0: i32) -> (i32, i32) {
    %c0_i32 = arith.constant 0 : i32
    %c0_i32_0 = arith.constant 0 : i32
    %c0_i32_1 = arith.constant 0 : i32
    return %c0_i32, %c0_i32_0 : i32, i32
  }
  func.func @transform_5(%arg0: i32) -> (i32, i32) {
    %c0_i32 = arith.constant 0 : i32
    %c0_i32_0 = arith.constant 0 : i32
    %c0_i32_1 = arith.constant 0 : i32
    return %c0_i32, %c0_i32_0 : i32, i32
  }
  func.func @transform_6(%arg0: i32) -> (i32, i32) {
    %c0_i32 = arith.constant 0 : i32
    %c0_i32_0 = arith.constant 0 : i32
    %c0_i32_1 = arith.constant 0 : i32
    return %c0_i32, %c0_i32_0 : i32, i32
  }
}

</mosaic_0001>

<sc_bundles>
// kernel: kernel.11.cloned.1.call-start
scs
__scs_entry_jumppad:
0x0: {  	(pc) =	sbr.rel $0x88, $3  }
0x1: {  	(tag) =	ssettag $0x0;
	lr =	simm.s32 $0x1  }
0x2: {  	[smem:$0x3F98] =	sst lr;
	_ =	strace $0xD0000000  }
0x3: {  	_ = 	snop  }
0x4: {  	_ = 	snop  }
0x5: {  	_ = 	snop  }
0x6: {  	_ = 	snop  }
0x7: {  	_ = 	snop  }
__scs_overlays_trampoline_lowered:
0x8: {  	[smem:$0x3FA7] =	sst s0  }
0x9: {  	[smem:$0x3FA8] =	sst s1  }
0xa: {  	[smem:$0x3FA9] =	sst s2  }
0xb: {  	[smem:$0x3FAA] =	sst s3  }
0xc: {  	[smem:$0x3FAB] =	sst s4  }
0xd: {  	[smem:$0x3FAC] =	sst s5  }
0xe: {  	[smem:$0x3FAD] =	sst s6  }
0xf: {  	[smem:$0x3FAE] =	sst s7  }
0x10: {  	[smem:$0x3FAF] =	sst s8  }
0x11: {  	[smem:$0x3FB0] =	sst s9;
	s0 =	simm.s32 @!p0 $0x0  }
0x12: {  	s1 =	sld [smem:$0x3F96];
	s0 =	simm.s32 @p0 $0x1  }
0x13: {  	[smem:$0x3FB1] =	sst s0;
	s0 =	simm.s32 @!p1 $0x0  }
0x14: {  	s2 =	sld [smem:$0x3F95];
	s0 =	simm.s32 @p1 $0x1  }
0x15: {  	[smem:$0x3FB2] =	sst s0;
	s0 =	simm.s32 @!p2 $0x0  }
0x16: {  	s3 =	sld [smem:$0x3FDB];
	s0 =	simm.s32 @p2 $0x1  }
0x17: {  	s4 =	simm.s32 $0x1BF5;
	[smem:$0x3FB4] =	sst s0  }
0x18: {  	s0 =	sld [smem:$0x3F97];
	_ =	swait.ge [sflag:s4], $0x0  }
0x19: {  	s7 =	sld [smem:$0x3F98]  }
0x1a: {  	s8 =	sadd.s32 $0xFFFFE003, lr  }
0x1b: {  	s9 =	sadd.s32 $0xFFFFFEF7, lr;
	s5 =	simm.s32 $0xFFFFFFFF;
	p2 =	slt.u32 s8, $0xFFFFF086  }
0x1c: {  	p1 =	slt.u32 s9, $0xF7A;
	s5 =	simm.s32 @!p2 $0x0  }
0x1d: {  	s5 =	simm.s32 @p1 $0x1;
	p0 =	seq.s32 s7, s2  }
0x1e: {  	s7 =	smul.u32 @!p0 $0xF7A, s2;
	p2 =	seq.s32 @!p0 s5, $0x0  }
0x1f: {  	s9 =	smul.u32 $0xF7A, s1;
	s8 =	simm.s32 @!p0 $0x1BF5;
	p2 =	por !p2, p0  }
0x20: {  	[sflag:s8] =	ssyncset.s32 @!p0 $0xFFFFF086;
	s6 =	sadd.s32 @!p0 s3, s7;
	s7 =	simm.s32 @!p0 $0x108  }
0x21: {  	s3 =	sadd.s32 s3, s9;
	s6 =	sadd.s32 @!p0 $0x88, s6;
	s7 =	simm.s32 @p2 $0x1082  }
0x22: {  	[simem:s7], [sflag:s8] =	dma.local @!p0 [hbm:s6], $0xF7A  }
0x23: {  	s9 =	sor.u32 $0xD0000000, s2;
	s6 =	simm.s32 $0x108;
	_ =	swait.ge @!p0 [sflag:s8], $0x0  }
0x24: {  	s3 =	sadd.s32 $0x88, s3;
	s6 =	simm.s32 @!p1 $0x1082;
	[sflag:s4] =	ssyncset.s32 $0xFFFFF086  }
0x25: {  	[simem:s6], [sflag:s4] =	dma.local [hbm:s3], $0xF7A  }
0x26: {  	[smem:$0x3F98] =	sst s1;
	(tag) =	ssettag s2;
	_ =	strace s9  }
0x27: {  	s1 =	sld [smem:$0x3FA8]  }
0x28: {  	s2 =	sld [smem:$0x3FA9]  }
0x29: {  	s4 =	sld [smem:$0x3FAB]  }
0x2a: {  	p0 =	seq.s32 s5, $0x0;
	s5 =	sld [smem:$0x3FAC]  }
0x2b: {  	s6 =	sld [smem:$0x3FAD]  }
0x2c: {  	s7 =	sld [smem:$0x3FAE]  }
0x2d: {  	s3 =	simm.s32 $0x108;
	s8 =	sld [smem:$0x3FAF]  }
0x2e: {  	s3 =	simm.s32 @!p0 $0x1082;
	s9 =	sld [smem:$0x3FB0]  }
0x2f: {  	lr =	sadd.s32 s0, s3;
	s0 =	sld [smem:$0x3FA7]  }
0x30: {  	s3 =	sld [smem:$0x3FAA]  }
0x31: {  	[smem:$0x3FB3] =	sst s10  }
0x32: {  	s10 =	sld [smem:$0x3FB1];
	_ =	sdelay $0x3  }
0x33: {  	p0 =	seq.s32 s10, $0x1;
	s10 =	sld [smem:$0x3FB3];
	_ =	sdelay $0x3  }
0x34: {  	[smem:$0x3FB3] =	sst s10  }
0x35: {  	s10 =	sld [smem:$0x3FB2];
	_ =	sdelay $0x3  }
0x36: {  	p1 =	seq.s32 s10, $0x1;
	s10 =	sld [smem:$0x3FB3];
	_ =	sdelay $0x3  }
0x37: {  	[smem:$0x3FB3] =	sst s10  }
0x38: {  	s10 =	sld [smem:$0x3FB4]  }
0x39: {  	_ = 	snop;
	(pc) =	sbr.ind lr, $3  }
0x3a: {  	_ = 	snop  }
0x3b: {  	_ = 	snop  }
0x3c: {  	p2 =	seq.s32 s10, $0x1;
	s10 =	sld [smem:$0x3FB3]  }
0x3d: {  	_ =	shalt  }
0x3e: {  	_ =	shalt  }
0x3f: {  	_ =	shalt  }
0x40: {  	_ =	shalt  }
0x41: {  	_ =	shalt  }
0x42: {  	_ =	shalt  }
0x43: {  	_ =	shalt  }
0x44: {  	_ =	shalt  }
0x45: {  	_ =	shalt  }
0x46: {  	_ =	shalt  }
0x47: {  	_ =	shalt  }
0x48: {  	_ =	shalt  }
0x49: {  	_ =	shalt  }
0x4a: {  	_ =	shalt  }
0x4b: {  	_ =	shalt  }
0x4c: {  	_ =	shalt  }
0x4d: {  	_ =	shalt  }
0x4e: {  	_ =	shalt  }
0x4f: {  	_ =	shalt  }
0x50: {  	_ =	shalt  }
0x51: {  	_ =	shalt  }
0x52: {  	_ =	shalt  }
0x53: {  	_ =	shalt  }
0x54: {  	_ =	shalt  }
0x55: {  	_ =	shalt  }
0x56: {  	_ =	shalt  }
0x57: {  	_ =	shalt  }
0x58: {  	_ =	shalt  }
0x59: {  	_ =	shalt  }
0x5a: {  	_ =	shalt  }
0x5b: {  	_ =	shalt  }
0x5c: {  	_ =	shalt  }
0x5d: {  	_ =	shalt  }
0x5e: {  	_ =	shalt  }
0x5f: {  	_ =	shalt  }
0x60: {  	_ =	shalt  }
0x61: {  	_ =	shalt  }
0x62: {  	_ =	shalt  }
0x63: {  	_ =	shalt  }
0x64: {  	_ =	shalt  }
0x65: {  	_ =	shalt  }
0x66: {  	_ =	shalt  }
0x67: {  	_ =	shalt  }
0x68: {  	_ =	shalt  }
0x69: {  	_ =	shalt  }
0x6a: {  	_ =	shalt  }
0x6b: {  	_ =	shalt  }
0x6c: {  	_ =	shalt  }
0x6d: {  	_ =	shalt  }
0x6e: {  	_ =	shalt  }
0x6f: {  	_ =	shalt  }
0x70: {  	_ =	shalt  }
0x71: {  	_ =	shalt  }
0x72: {  	_ =	shalt  }
0x73: {  	_ =	shalt  }
0x74: {  	_ =	shalt  }
0x75: {  	_ =	shalt  }
0x76: {  	_ =	shalt  }
0x77: {  	_ =	shalt  }
0x78: {  	_ =	shalt  }
0x79: {  	_ =	shalt  }
0x7a: {  	_ =	shalt  }
0x7b: {  	_ =	shalt  }
0x7c: {  	_ =	shalt  }
0x7d: {  	_ =	shalt  }
0x7e: {  	_ =	shalt  }
0x7f: {  	_ =	shalt  }
0x80: {  	_ =	shalt  }
0x81: {  	_ =	shalt  }
0x82: {  	_ =	shalt  }
0x83: {  	_ =	shalt  }
0x84: {  	_ =	shalt  }
0x85: {  	_ =	shalt  }
0x86: {  	_ =	shalt  }
0x87: {  	_ =	shalt  }
.Lfunc_end0:
.L_simem_size_0:
called_computation.1_lowered:
.L_overlay_start_0:
0x88: {  	s2 =	sld [smem:$0x3FD9]  }
0x89: {  	s3 =	sld [smem:$0x3FFE];
	_ =	sdelay $0x1  }
0x8a: {  	s1 =	srdreg.scid  }
0x8b: {  	s0 =	sand.u32 $0x1, s1  }
0x8c: {  	s16 =	sshll.u32 s0, $0xA;
	s2 =	sadd.s32 s3, s2  }
0x8d: {  	s2 =	sadd.s32 s2, s16  }
0x8e: {  	[smem:$0x3FBF] =	sst s2  }
0x8f: {  	_ = 	snop  }
0x90: {  	(tm) =	ssettm $0x1  }
0x91: {  	s17 =	sld [smem:$0x3FFB];
	_ =	sdelay $0x3  }
0x92: {  	_ =	strace s17  }
0x93: {  	s2 =	sld [smem:$0x3FFC];
	_ =	sdelay $0x3  }
0x94: {  	_ =	strace s2  }
0x95: {  	s2 =	sld [smem:$0x3FFD];
	_ =	sdelay $0x3  }
0x96: {  	_ =	strace s2  }
0x97: {  	_ =	strace $0x8FFFFFFF  }
0x98: {  	s18 =	sld [smem:$0x3FDB];
	_ =	sdelay $0x1  }
0x99: {  	s19 =	simm.s32 $_scs_section_size  }
0x9a: {  	s4 =	simm.s32 $_size__tile_overlayer_lowered;
	s5 =	simm.s32 $_tile_overlayer_lowered  }
0x9b: {  	s22 =	simm.s32 $0x1BFF;
	s21 =	sshll.u32 s5, $0x1;
	s2 =	sadd.s32 s19, s18  }
0x9c: {  	s6 =	simm.s32 $0x0;
	s20 =	sshll.u32 s4, $0x1;
	s4 =	sadd.s32 s21, s2  }
0x9d: {  	[timem:s6], [sflag:s22] =	dma.local [hbm:s4], s20  }
0x9e: {  	_ =	swait.ge [sflag:s22], s20  }
0x9f: {  	s3 =	ssub.s32 $0x0, s20;
	[sflag:s22] =	ssyncset.done $0x0  }
0xa0: {  	[sflag:s22] =	ssyncadd.s32 s3;
	_ =	sdelay $0x1  }
0xa1: {  	s23 =	simm.s32 $0x1B8B  }
0xa2: {  	_ =	swait.ge [sflag:s23], $0x1  }
0xa3: {  	[sflag:s23] =	ssyncset.done $0x0  }
0xa4: {  	s25 =	simm.s32 $0x1B8E;
	s24 =	sld [smem:$0x3FFE];
	[sflag:s23] =	ssyncadd.s32 $0xFFFFFFFF  }
0xa5: {  	s26 =	simm.s32 $execute0_lowered;
	[smem:$0x3FD2] =	sst s25  }
0xa6: {  	s4 =	sshll.u32 s26, $0x1;
	_ =	strace $0x80000049;
	[dreg:$0x1] =	wrdreg $0xFFFFFFFF  }
0xa7: {  	s28 =	simm.s32 $_size_execute0_lowered;
	s2 =	sadd.s32 s2, s4;
	[dreg:$0x0] =	wrdreg $0x0  }
0xa8: {  	s4 =	sshll.u32 s28, $0x1;
	[dreg:$0x2] =	wrdreg s2  }
0xa9: {  	[dreg:$0x3] =	wrdreg s4  }
0xaa: {  	[dreg:$0x4] =	wrdreg $0xC0  }
0xab: {  	_ =	task [dreg:s6], $0x5FFFF  }
0xac: {  	[dreg:$0x1] =	wrdreg $0xFFFFFFFF  }
0xad: {  	[dreg:$0x0] =	wrdreg $0x60  }
0xae: {  	[dreg:$0x2] =	wrdreg s24  }
0xaf: {  	[dreg:$0x3] =	wrdreg $0x11D000  }
0xb0: {  	[dreg:$0x4] =	wrdreg $0x9  }
0xb1: {  	_ =	task.clear_ibuf [dreg:s6], $0x5FFFF;
	_ =	strace $0x90000049  }
0xb2: {  	s29 =	simm.s32 $0x9;
	_ =	strace $0x8000004B  }
0xb3: {  	_ =	swait.ge [sflag:s29], $0x1  }
0xb4: {  	[sflag:s29] =	ssyncadd.s32 $0xFFFFFFFF  }
0xb5: {  	_ =	strace $0x9000004B  }
0xb6: {  	_ =	sfence  }
0xb7: {  	s30 =	sld [smem:$0x0];
	_ =	sdelay $0x2  }
0xb8: {  	s31 =	sshll.u32 s1, $0xD;
	s1 =	sshrl.u32 s1, $0x2  }
0xb9: {  	s3 =	sand.u32 $0x4000, s31;
	s1 =	sadd.s32 s1, s30  }
0xba: {  	s0 =	sor.u32 s3, s0;
	s1 =	sshll.u32 s1, $0x11  }
0xbb: {  	s0 =	sor.u32 s1, s0  }
0xbc: {  	s0 =	sadd.s32 $0x8F2B, s0  }
0xbd: {  	[sflag:s0] =	ssyncadd.remote.s32 $0x1  }
0xbe: {  	_ =	sfence.sel $0xFFFF  }
0xbf: {  	[dreg:$0x0] =	wrdreg $0xFFFFFFFF;
	(pc) =	sbr.abs _section_cstart, $3  }
0xc0: {  	[dreg:$0x1] =	wrdreg $0xFFFFFFFF  }
0xc1: {  	_ =	task.clear_ibuf [dreg:s6], $0x2FFFF;
	_ =	strace $0x9FFFFFFF  }
0xc2: {  	(tm) =	ssettm $0x7FFFFFFF  }
0xc3: {  	_ =	shalt  }
tec
execute0_lowered:
.L_overlay_start_1:
0x0: {  	(tag) =	ssettag $0x1  }
0x1: {  	s4 =	rddreg [dreg:$0x0]  }
0x2: {  	s2 =	rddreg [dreg:$0x1]  }
0x3: {  	s0 =	rddreg [dreg:$0x2]  }
0x4: {  	s3 =	simm.s32 $0x0;
	s1 =	stileid.u32;
	s5 =	srdreg.scid  }
0x5: {  	s17 =	simm.s32 $0xFA;
	s18 =	simm.s32 $0xA000;
	s19 =	simm.s32 $0xDE80  }
0x6: {  	s20 =	simm.s32 $0x1;
	s21 =	simm.s32 $0x2;
	s22 =	simm.s32 $0x4F00  }
0x7: {  	s23 =	simm.s32 $0x9E00;
	s24 =	simm.s32 $0x9F00;
	s25 =	simm.s32 $0x0  }
0x8: {  	[smem:$0x7FF] =	sst s3;
	s6 =	smul.u32 $0xA00, s1;
	s5 =	sand.u32 $0x1, s5  }
0x9: {  	s8 =	smul.u32 $0x9C00, s1;
	s9 =	sadd.s32 $0x6E600, s4;
	s12 =	sadd.s32 $0x95800, s4  }
0xa: {  	s15 =	sadd.s32 $0x92400, s2;
	p0 =	seq.s32 s1, $0xF;
	s11 =	smul.u32 $0x13880, s5  }
0xb: {  	_ =	strace $0x8000004A;
	s7 =	ssub.s32 $0x2, s5;
	s30 =	smul.u32 $0x9C400, s5  }
0xc: {  	s10 =	sshrl.u32 s7, $0x1;
	s6 =	sadd.s32 s6, s4;
	s14 =	sadd.s32 s8, s2  }
0xd: {  	s13 =	sshrl.u32 s8, $0x3;
	s10 =	ssub.s32 s7, s10;
	s11 =	sadd.s32 s9, s11  }
0xe: {  	s4 =	sadd.s32 $0x16400, s6;
	s5 =	sadd.s32 $0x2600, s6;
	s16 =	sshrl.u32 s30, $0x3  }
0xf: {  	s7 =	sadd.s32 s8, s30;
	s14 =	sshrl.u32 @!p0 s14, $0x3;
	s6 =	sadd.s32 s9, s16  }
0x10: {  	s7 =	sshrl.u32 s7, $0x3;
	s31 =	sadd.s32 s12, s16;
	s9 =	smax.u32 s10, $0x1  }
0x11: {  	s10 =	sadd.s32 s13, s11;
	s13 =	sshll.u32 @!p0 s1, $0x6;
	s11 =	sadd.s32 $0x12480, s11  }
0x12: {  	s16 =	simm.s32 $0x5000;
	s7 =	sadd.s32 s12, s7;
	s8 =	sadd.s32 $0x12480, s31  }
0x13: {  	s12 =	sshrl.u32 @p0 s15, $0x3;
	s13 =	sor.u32 @!p0 $0x1C03, s13;
	s15 =	simm.s32 $0x3  }
.LBB2_1:
0x14: {  	s26 =	simm.s32 @p0 $0x1FC3  }
0x15: {  	[spmem:s12], [sflag:s26] =	dma.local @p0 [hbm:s11], $0x1400  }
0x16: {  	s26 =	simm.s32 @p0 $0x3  }
0x17: {  	_ =	swait.ge @p0 [sflag:s26], $0x1400  }
0x18: {  	[sflag:s26] =	ssyncset.done @p0 $0x0  }
0x19: {  	[sflag:s26] =	ssyncadd.s32 @p0 $0xFFFFEC00;
	s26 =	simm.s32 @!p0 $0x3  }
0x1a: {  	[spmem:s14], [sflag:s13] =	dma.local @!p0 [hbm:s10], $0x1380  }
0x1b: {  	_ =	swait.ge @!p0 [sflag:s26], $0x1380  }
0x1c: {  	[sflag:s26] =	ssyncset.done @!p0 $0x0  }
0x1d: {  	[sflag:s26] =	ssyncadd.s32 @!p0 $0xFFFFEC80  }
0x1e: {  	[tilespmem:s3], [sflag:$0x3] =	stream.linear.gather [hbm4b:s4+s3], $0x5000, $0x38;
	[tilespmem:$0x1B940] =	vst v63  }
0x1f: {  	_ =	swait.ge [sflag:s15], $0x5000  }
0x20: {  	[sflag:s15] =	ssyncset.done $0x0  }
0x21: {  	[sflag:s15] =	ssyncadd.s32 $0xFFFFB000  }
0x22: {  	[tilespmem:s16], [sflag:$0x3] =	stream.linear.gather [hbm4b:s5+s3], $0x5000, $0x38;
	[tilespmem:$0x1B940] =	vst v63  }
0x23: {  	_ =	swait.ge [sflag:s15], $0x5000  }
0x24: {  	[sflag:s15] =	ssyncset.done $0x0  }
0x25: {  	[sflag:s15] =	ssyncadd.s32 $0xFFFFB000  }
0x26: {  	[bflag:$0x0] =	sbarrier.arrive $0xFFFF  }
0x27: {  	[tilespmem:s18], [sflag:$0x1] =	stream.indirect.gather [hbm4b:s6+s17], $0x40, s3, s17, $0xb8;
	[tilespmem:$0x1B940] =	vst v63  }
0x28: {  	s31 =	simm.s32 $0x100  }
0x29: {  	[tilespmem:s19], [sflag:$0x2] =	stream.indirect.gather [hbm4b:s6+s17], $0x40, s31, s17, $0xb8;
	[tilespmem:$0x1B940] =	vst v63  }
0x2a: {  	_ =	swait.ge [sflag:s20], $0x3E80  }
0x2b: {  	[sflag:s20] =	ssyncset.done $0x0  }
0x2c: {  	s29 =	simm.s32 $0x5000;
	[sflag:s20] =	ssyncadd.s32 $0xFFFFC180  }
0x2d: {  	[spmem:s2] =	stream.indirect.scatter.add.f32 [tilespmem:s18], [sflag:$0x3], $0x40, s29, s17, $0xb8;
	[tilespmem:$0x1B940] =	vst v63  }
0x2e: {  	_ =	swait.ge [sflag:s15], $0x3E80  }
0x2f: {  	[sflag:s15] =	ssyncset.done $0x0  }
0x30: {  	s30 =	simm.s32 $0x200;
	[sflag:s15] =	ssyncadd.s32 $0xFFFFC180  }
0x31: {  	[tilespmem:s18], [sflag:$0x1] =	stream.indirect.gather [hbm4b:s6+s17], $0x40, s30, s17, $0xb8;
	[tilespmem:$0x1B940] =	vst v63  }
0x32: {  	_ =	swait.ge [sflag:s21], $0x3E80  }
0x33: {  	[sflag:s21] =	ssyncset.done $0x0  }
0x34: {  	s31 =	simm.s32 $0x5100;
	[sflag:s21] =	ssyncadd.s32 $0xFFFFC180  }
0x35: {  	[spmem:s2] =	stream.indirect.scatter.add.f32 [tilespmem:s19], [sflag:$0x3], $0x40, s31, s17, $0xb8;
	[tilespmem:$0x1B940] =	vst v63  }
0x36: {  	_ =	swait.ge [sflag:s15], $0x3E80  }
0x37: {  	s28 =	simm.s32 $0x1000;
	s26 =	simm.s32 $0x200;
	[sflag:s15] =	ssyncset.done $0x0  }
.LBB2_2:
0x38: {  	s29 =	sadd.s32 $0x100, s26  }
0x39: {  	[sflag:s15] =	ssyncadd.s32 $0xFFFFC180;
	s30 =	smov.u32 s28;
	s31 =	sadd.s32 $0x800, s28  }
0x3a: {  	[tilespmem:s19], [sflag:$0x2] =	stream.indirect.gather [hbm4b:s6+s17], $0x40, s29, s17, $0xb8;
	[tilespmem:$0x1B940] =	vst v63  }
0x3b: {  	p1 =	sne.s32 s28, $0x13000;
	_ =	swait.ge [sflag:s20], $0x3E80  }
0x3c: {  	[sflag:s20] =	ssyncset.done $0x0  }
0x3d: {  	s28 =	sadd.s32 $0x5000, s26;
	[sflag:s20] =	ssyncadd.s32 $0xFFFFC180  }
0x3e: {  	[spmem:s2] =	stream.indirect.scatter.add.f32 [tilespmem:s18], [sflag:$0x3], $0x40, s28, s17, $0xb8;
	[tilespmem:$0x1B940] =	vst v63  }
0x3f: {  	_ =	swait.ge [sflag:s15], $0x3E80  }
0x40: {  	[sflag:s15] =	ssyncset.done $0x0  }
0x41: {  	s28 =	sadd.s32 $0x200, s26;
	[sflag:s15] =	ssyncadd.s32 $0xFFFFC180  }
0x42: {  	[tilespmem:s18], [sflag:$0x1] =	stream.indirect.gather [hbm4b:s6+s17], $0x40, s28, s17, $0xb8;
	[tilespmem:$0x1B940] =	vst v63  }
0x43: {  	_ =	swait.ge [sflag:s21], $0x3E80  }
.Ltmp0:
0x44: {  	[sflag:s21] =	ssyncset.done $0x0;
	(pc) =	sbr.rel @p1 .LBB2_2-.Ltmp0, $4  }
0x45: {  	s26 =	sadd.s32 $0x5100, s26;
	[sflag:s21] =	ssyncadd.s32 $0xFFFFC180  }
0x46: {  	[spmem:s2] =	stream.indirect.scatter.add.f32 [tilespmem:s19], [sflag:$0x3], $0x40, s26, s17, $0xb8;
	[tilespmem:$0x1B940] =	vst v63  }
0x47: {  	_ =	swait.ge [sflag:s15], $0x3E80  }
0x48: {  	s28 =	smov.u32 s31;
	s26 =	sshra.s32 s30, $0x2;
	[sflag:s15] =	ssyncset.done $0x0  }
0x49: {  	s28 =	sadd.s32 $0x100, s26;
	[sflag:s15] =	ssyncadd.s32 $0xFFFFC180  }
0x4a: {  	[tilespmem:s19], [sflag:$0x2] =	stream.indirect.gather [hbm4b:s6+s17], $0x40, s28, s17, $0xb8;
	[tilespmem:$0x1B940] =	vst v63  }
0x4b: {  	_ =	swait.ge [sflag:s20], $0x3E80  }
0x4c: {  	[sflag:s20] =	ssyncset.done $0x0  }
0x4d: {  	s29 =	sadd.s32 $0x5000, s26;
	[sflag:s20] =	ssyncadd.s32 $0xFFFFC180  }
0x4e: {  	[spmem:s2] =	stream.indirect.scatter.add.f32 [tilespmem:s18], [sflag:$0x3], $0x40, s29, s17, $0xb8;
	[tilespmem:$0x1B940] =	vst v63  }
0x4f: {  	_ =	swait.ge [sflag:s15], $0x3E80  }
0x50: {  	[sflag:s15] =	ssyncset.done $0x0  }
0x51: {  	s30 =	sadd.s32 $0x200, s26;
	[sflag:s15] =	ssyncadd.s32 $0xFFFFC180  }
0x52: {  	[tilespmem:s18], [sflag:$0x1] =	stream.indirect.gather [hbm4b:s6+s17], $0x40, s30, s17, $0xb8;
	[tilespmem:$0x1B940] =	vst v63  }
0x53: {  	_ =	swait.ge [sflag:s21], $0x3E80  }
0x54: {  	[sflag:s21] =	ssyncset.done $0x0  }
0x55: {  	s31 =	sadd.s32 $0x5100, s26;
	[sflag:s21] =	ssyncadd.s32 $0xFFFFC180  }
0x56: {  	[spmem:s2] =	stream.indirect.scatter.add.f32 [tilespmem:s19], [sflag:$0x3], $0x40, s31, s17, $0xb8;
	[tilespmem:$0x1B940] =	vst v63  }
0x57: {  	_ =	swait.ge [sflag:s15], $0x3E80  }
0x58: {  	[sflag:s15] =	ssyncset.done $0x0  }
0x59: {  	[sflag:s15] =	ssyncadd.s32 $0xFFFFC180  }
0x5a: {  	[tilespmem:s19], [sflag:$0x2] =	stream.indirect.gather [hbm4b:s6+s17], $0x40, s22, s17, $0xb8;
	[tilespmem:$0x1B940] =	vst v63  }
0x5b: {  	_ =	swait.ge [sflag:s20], $0x3E80  }
0x5c: {  	[sflag:s20] =	ssyncset.done $0x0  }
0x5d: {  	[sflag:s20] =	ssyncadd.s32 $0xFFFFC180  }
0x5e: {  	[spmem:s2] =	stream.indirect.scatter.add.f32 [tilespmem:s18], [sflag:$0x3], $0x40, s23, s17, $0xb8;
	[tilespmem:$0x1B940] =	vst v63  }
0x5f: {  	_ =	swait.ge [sflag:s15], $0x3E80  }
0x60: {  	[sflag:s15] =	ssyncset.done $0x0  }
0x61: {  	[sflag:s15] =	ssyncadd.s32 $0xFFFFC180  }
0x62: {  	_ =	swait.ge [sflag:s21], $0x3E80  }
0x63: {  	[sflag:s21] =	ssyncset.done $0x0  }
0x64: {  	[sflag:s21] =	ssyncadd.s32 $0xFFFFC180  }
0x65: {  	[spmem:s2] =	stream.indirect.scatter.add.f32 [tilespmem:s19], [sflag:$0x3], $0x40, s24, s17, $0xb8;
	[tilespmem:$0x1B940] =	vst v63  }
0x66: {  	_ =	swait.ge [sflag:s15], $0x3E80  }
0x67: {  	[sflag:s15] =	ssyncset.done $0x0  }
0x68: {  	[sflag:s15] =	ssyncadd.s32 $0xFFFFC180  }
0x69: {  	s26 =	simm.s32 @p0 $0x1FC3;
	[bflag:$0x0] =	sbarrier.arrive $0xFFFF  }
0x6a: {  	[hbm:s8], [sflag:s26] =	dma.local @p0 [spmem:s12], $0x1400  }
0x6b: {  	s26 =	simm.s32 @p0 $0x3  }
0x6c: {  	s25 =	sadd.s32 $0x1, s25;
	_ =	swait.ge @p0 [sflag:s26], $0x1400  }
0x6d: {  	p1 =	sne.s32 s25, s9;
	[sflag:s26] =	ssyncset.done @p0 $0x0  }
.Ltmp1:
0x6e: {  	[sflag:s26] =	ssyncadd.s32 @p0 $0xFFFFEC00;
	s26 =	simm.s32 @!p0 $0x3;
	(pc) =	sbr.rel @p1 .LBB2_1-.Ltmp1, $4  }
0x6f: {  	[hbm:s7], [sflag:s13] =	dma.local @!p0 [spmem:s14], $0x1380  }
0x70: {  	_ =	swait.ge @!p0 [sflag:s26], $0x1380  }
0x71: {  	[sflag:s26] =	ssyncset.done @!p0 $0x0  }
0x72: {  	[sflag:s26] =	ssyncadd.s32 @!p0 $0xFFFFEC80  }
0x73: {  	_ =	sfence.sel $0x180000  }
0x74: {  	[bflag:$0x0] =	sbarrier.arrive $0xFFFF  }
0x75: {  	p0 =	sne.s32 s1, $0x0;
	_ =	strace $0x9000004A  }
0x76: {  	s0 =	sadd.s32 @!p0 $0x100000, s0;
	[bflag:$0x2] =	sbarrier.arrive $0xFFFF  }
0x77: {  	[sflag:s0] =	ssyncadd.tile.s32 @!p0 $0x1;
	_ =	shalt  }
.Lfunc_end2:
_tile_overlayer_lowered:
.L_overlay_start_2:
0x78: {  	(tag) =	ssettag $0x2  }
0x79: {  	s0 =	rddreg [dreg:$0x0];
	s2 =	stileid.u32  }
0x7a: {  	s1 =	rddreg [dreg:$0x1];
	p0 =	sne.s32 s2, $0x0  }
0x7b: {  	s3 =	rddreg [dreg:$0x2];
	[bflag:$0x3] =	sbarrier.arrive $0xFFFF;
	s2 =	simm.s32 @!p0 $0x1C03  }
0x7c: {  	[timem:s3], [sflag:s2] =	dma.local @!p0 [hbm:s0], s1  }
0x7d: {  	s0 =	simm.s32 @!p0 $0x3  }
0x7e: {  	_ =	swait.ge @!p0 [sflag:s0], s1  }
0x7f: {  	s1 =	ssub.s32 @!p0 $0x0, s1;
	[sflag:s0] =	ssyncset.done @!p0 $0x0  }
0x80: {  	[sflag:s0] =	ssyncadd.s32 @!p0 s1  }
0x81: {  	[bflag:$0x3] =	sbarrier.arrive $0xFFFF  }
0x82: {  	_ =	shalt  }

// kernel: kernel.14.cloned.1.call-start
scs
__scs_entry_jumppad:
0x0: {  	(pc) =	sbr.rel $0x88, $3  }
0x1: {  	(tag) =	ssettag $0x0;
	lr =	simm.s32 $0x1  }
0x2: {  	[smem:$0x3F98] =	sst lr;
	_ =	strace $0xD0000000  }
0x3: {  	_ = 	snop  }
0x4: {  	_ = 	snop  }
0x5: {  	_ = 	snop  }
0x6: {  	_ = 	snop  }
0x7: {  	_ = 	snop  }
__scs_overlays_trampoline_lowered:
0x8: {  	[smem:$0x3FA7] =	sst s0  }
0x9: {  	[smem:$0x3FA8] =	sst s1  }
0xa: {  	[smem:$0x3FA9] =	sst s2  }
0xb: {  	[smem:$0x3FAA] =	sst s3  }
0xc: {  	[smem:$0x3FAB] =	sst s4  }
0xd: {  	[smem:$0x3FAC] =	sst s5  }
0xe: {  	[smem:$0x3FAD] =	sst s6  }
0xf: {  	[smem:$0x3FAE] =	sst s7  }
0x10: {  	[smem:$0x3FAF] =	sst s8  }
0x11: {  	[smem:$0x3FB0] =	sst s9;
	s0 =	simm.s32 @!p0 $0x0  }
0x12: {  	s1 =	sld [smem:$0x3F96];
	s0 =	simm.s32 @p0 $0x1  }
0x13: {  	[smem:$0x3FB1] =	sst s0;
	s0 =	simm.s32 @!p1 $0x0  }
0x14: {  	s2 =	sld [smem:$0x3F95];
	s0 =	simm.s32 @p1 $0x1  }
0x15: {  	[smem:$0x3FB2] =	sst s0;
	s0 =	simm.s32 @!p2 $0x0  }
0x16: {  	s3 =	sld [smem:$0x3FDB];
	s0 =	simm.s32 @p2 $0x1  }
0x17: {  	s4 =	simm.s32 $0x1BF5;
	[smem:$0x3FB4] =	sst s0  }
0x18: {  	s0 =	sld [smem:$0x3F97];
	_ =	swait.ge [sflag:s4], $0x0  }
0x19: {  	s7 =	sld [smem:$0x3F98]  }
0x1a: {  	s8 =	sadd.s32 $0xFFFFE003, lr  }
0x1b: {  	s9 =	sadd.s32 $0xFFFFFEF7, lr;
	s5 =	simm.s32 $0xFFFFFFFF;
	p2 =	slt.u32 s8, $0xFFFFF086  }
0x1c: {  	p1 =	slt.u32 s9, $0xF7A;
	s5 =	simm.s32 @!p2 $0x0  }
0x1d: {  	s5 =	simm.s32 @p1 $0x1;
	p0 =	seq.s32 s7, s2  }
0x1e: {  	s7 =	smul.u32 @!p0 $0xF7A, s2;
	p2 =	seq.s32 @!p0 s5, $0x0  }
0x1f: {  	s9 =	smul.u32 $0xF7A, s1;
	s8 =	simm.s32 @!p0 $0x1BF5;
	p2 =	por !p2, p0  }
0x20: {  	[sflag:s8] =	ssyncset.s32 @!p0 $0xFFFFF086;
	s6 =	sadd.s32 @!p0 s3, s7;
	s7 =	simm.s32 @!p0 $0x108  }
0x21: {  	s3 =	sadd.s32 s3, s9;
	s6 =	sadd.s32 @!p0 $0x88, s6;
	s7 =	simm.s32 @p2 $0x1082  }
0x22: {  	[simem:s7], [sflag:s8] =	dma.local @!p0 [hbm:s6], $0xF7A  }
0x23: {  	s9 =	sor.u32 $0xD0000000, s2;
	s6 =	simm.s32 $0x108;
	_ =	swait.ge @!p0 [sflag:s8], $0x0  }
0x24: {  	s3 =	sadd.s32 $0x88, s3;
	s6 =	simm.s32 @!p1 $0x1082;
	[sflag:s4] =	ssyncset.s32 $0xFFFFF086  }
0x25: {  	[simem:s6], [sflag:s4] =	dma.local [hbm:s3], $0xF7A  }
0x26: {  	[smem:$0x3F98] =	sst s1;
	(tag) =	ssettag s2;
	_ =	strace s9  }
0x27: {  	s1 =	sld [smem:$0x3FA8]  }
0x28: {  	s2 =	sld [smem:$0x3FA9]  }
0x29: {  	s4 =	sld [smem:$0x3FAB]  }
0x2a: {  	p0 =	seq.s32 s5, $0x0;
	s5 =	sld [smem:$0x3FAC]  }
0x2b: {  	s6 =	sld [smem:$0x3FAD]  }
0x2c: {  	s7 =	sld [smem:$0x3FAE]  }
0x2d: {  	s3 =	simm.s32 $0x108;
	s8 =	sld [smem:$0x3FAF]  }
0x2e: {  	s3 =	simm.s32 @!p0 $0x1082;
	s9 =	sld [smem:$0x3FB0]  }
0x2f: {  	lr =	sadd.s32 s0, s3;
	s0 =	sld [smem:$0x3FA7]  }
0x30: {  	s3 =	sld [smem:$0x3FAA]  }
0x31: {  	[smem:$0x3FB3] =	sst s10  }
0x32: {  	s10 =	sld [smem:$0x3FB1];
	_ =	sdelay $0x3  }
0x33: {  	p0 =	seq.s32 s10, $0x1;
	s10 =	sld [smem:$0x3FB3];
	_ =	sdelay $0x3  }
0x34: {  	[smem:$0x3FB3] =	sst s10  }
0x35: {  	s10 =	sld [smem:$0x3FB2];
	_ =	sdelay $0x3  }
0x36: {  	p1 =	seq.s32 s10, $0x1;
	s10 =	sld [smem:$0x3FB3];
	_ =	sdelay $0x3  }
0x37: {  	[smem:$0x3FB3] =	sst s10  }
0x38: {  	s10 =	sld [smem:$0x3FB4]  }
0x39: {  	_ = 	snop;
	(pc) =	sbr.ind lr, $3  }
0x3a: {  	_ = 	snop  }
0x3b: {  	_ = 	snop  }
0x3c: {  	p2 =	seq.s32 s10, $0x1;
	s10 =	sld [smem:$0x3FB3]  }
0x3d: {  	_ =	shalt  }
0x3e: {  	_ =	shalt  }
0x3f: {  	_ =	shalt  }
0x40: {  	_ =	shalt  }
0x41: {  	_ =	shalt  }
0x42: {  	_ =	shalt  }
0x43: {  	_ =	shalt  }
0x44: {  	_ =	shalt  }
0x45: {  	_ =	shalt  }
0x46: {  	_ =	shalt  }
0x47: {  	_ =	shalt  }
0x48: {  	_ =	shalt  }
0x49: {  	_ =	shalt  }
0x4a: {  	_ =	shalt  }
0x4b: {  	_ =	shalt  }
0x4c: {  	_ =	shalt  }
0x4d: {  	_ =	shalt  }
0x4e: {  	_ =	shalt  }
0x4f: {  	_ =	shalt  }
0x50: {  	_ =	shalt  }
0x51: {  	_ =	shalt  }
0x52: {  	_ =	shalt  }
0x53: {  	_ =	shalt  }
0x54: {  	_ =	shalt  }
0x55: {  	_ =	shalt  }
0x56: {  	_ =	shalt  }
0x57: {  	_ =	shalt  }
0x58: {  	_ =	shalt  }
0x59: {  	_ =	shalt  }
0x5a: {  	_ =	shalt  }
0x5b: {  	_ =	shalt  }
0x5c: {  	_ =	shalt  }
0x5d: {  	_ =	shalt  }
0x5e: {  	_ =	shalt  }
0x5f: {  	_ =	shalt  }
0x60: {  	_ =	shalt  }
0x61: {  	_ =	shalt  }
0x62: {  	_ =	shalt  }
0x63: {  	_ =	shalt  }
0x64: {  	_ =	shalt  }
0x65: {  	_ =	shalt  }
0x66: {  	_ =	shalt  }
0x67: {  	_ =	shalt  }
0x68: {  	_ =	shalt  }
0x69: {  	_ =	shalt  }
0x6a: {  	_ =	shalt  }
0x6b: {  	_ =	shalt  }
0x6c: {  	_ =	shalt  }
0x6d: {  	_ =	shalt  }
0x6e: {  	_ =	shalt  }
0x6f: {  	_ =	shalt  }
0x70: {  	_ =	shalt  }
0x71: {  	_ =	shalt  }
0x72: {  	_ =	shalt  }
0x73: {  	_ =	shalt  }
0x74: {  	_ =	shalt  }
0x75: {  	_ =	shalt  }
0x76: {  	_ =	shalt  }
0x77: {  	_ =	shalt  }
0x78: {  	_ =	shalt  }
0x79: {  	_ =	shalt  }
0x7a: {  	_ =	shalt  }
0x7b: {  	_ =	shalt  }
0x7c: {  	_ =	shalt  }
0x7d: {  	_ =	shalt  }
0x7e: {  	_ =	shalt  }
0x7f: {  	_ =	shalt  }
0x80: {  	_ =	shalt  }
0x81: {  	_ =	shalt  }
0x82: {  	_ =	shalt  }
0x83: {  	_ =	shalt  }
0x84: {  	_ =	shalt  }
0x85: {  	_ =	shalt  }
0x86: {  	_ =	shalt  }
0x87: {  	_ =	shalt  }
.Lfunc_end0:
.L_simem_size_0:
called_computation.2_lowered:
.L_overlay_start_0:
0x88: {  	s2 =	sld [smem:$0x3FD9]  }
0x89: {  	s3 =	sld [smem:$0x3FFE];
	_ =	sdelay $0x1  }
0x8a: {  	s1 =	srdreg.scid  }
0x8b: {  	s0 =	sand.u32 $0x1, s1  }
0x8c: {  	s16 =	sshll.u32 s0, $0xA;
	s2 =	sadd.s32 s3, s2  }
0x8d: {  	s2 =	sadd.s32 s2, s16  }
0x8e: {  	[smem:$0x3FBF] =	sst s2  }
0x8f: {  	_ = 	snop  }
0x90: {  	(tm) =	ssettm $0x1  }
0x91: {  	s17 =	sld [smem:$0x3FFB];
	_ =	sdelay $0x3  }
0x92: {  	_ =	strace s17  }
0x93: {  	s2 =	sld [smem:$0x3FFC];
	_ =	sdelay $0x3  }
0x94: {  	_ =	strace s2  }
0x95: {  	s2 =	sld [smem:$0x3FFD];
	_ =	sdelay $0x3  }
0x96: {  	_ =	strace s2  }
0x97: {  	_ =	strace $0x8FFFFFFF  }
0x98: {  	s18 =	sld [smem:$0x3FDB];
	_ =	sdelay $0x1  }
0x99: {  	s19 =	simm.s32 $_scs_section_size  }
0x9a: {  	s4 =	simm.s32 $_size__tile_overlayer_lowered;
	s5 =	simm.s32 $_tile_overlayer_lowered  }
0x9b: {  	s22 =	simm.s32 $0x1BFF;
	s21 =	sshll.u32 s5, $0x1;
	s2 =	sadd.s32 s19, s18  }
0x9c: {  	s6 =	simm.s32 $0x0;
	s20 =	sshll.u32 s4, $0x1;
	s4 =	sadd.s32 s21, s2  }
0x9d: {  	[timem:s6], [sflag:s22] =	dma.local [hbm:s4], s20  }
0x9e: {  	_ =	swait.ge [sflag:s22], s20  }
0x9f: {  	s3 =	ssub.s32 $0x0, s20;
	[sflag:s22] =	ssyncset.done $0x0  }
0xa0: {  	[sflag:s22] =	ssyncadd.s32 s3;
	_ =	sdelay $0x1  }
0xa1: {  	s23 =	simm.s32 $0x1B8B  }
0xa2: {  	_ =	swait.ge [sflag:s23], $0x1  }
0xa3: {  	[sflag:s23] =	ssyncset.done $0x0  }
0xa4: {  	s25 =	simm.s32 $0x1B8E;
	s24 =	sld [smem:$0x3FFE];
	[sflag:s23] =	ssyncadd.s32 $0xFFFFFFFF  }
0xa5: {  	s26 =	simm.s32 $execute0_lowered;
	[smem:$0x3FD2] =	sst s25  }
0xa6: {  	s4 =	sshll.u32 s26, $0x1;
	_ =	strace $0x8000004C;
	[dreg:$0x1] =	wrdreg $0xFFFFFFFF  }
0xa7: {  	s28 =	simm.s32 $_size_execute0_lowered;
	s2 =	sadd.s32 s2, s4;
	[dreg:$0x0] =	wrdreg $0x0  }
0xa8: {  	s4 =	sshll.u32 s28, $0x1;
	[dreg:$0x2] =	wrdreg s2  }
0xa9: {  	[dreg:$0x3] =	wrdreg s4  }
0xaa: {  	[dreg:$0x4] =	wrdreg $0xC0  }
0xab: {  	_ =	task [dreg:s6], $0x5FFFF  }
0xac: {  	[dreg:$0x1] =	wrdreg $0xFFFFFFFF  }
0xad: {  	[dreg:$0x0] =	wrdreg $0x60  }
0xae: {  	[dreg:$0x2] =	wrdreg s24  }
0xaf: {  	[dreg:$0x3] =	wrdreg $0x11D000  }
0xb0: {  	[dreg:$0x4] =	wrdreg $0x9  }
0xb1: {  	_ =	task.clear_ibuf [dreg:s6], $0x5FFFF;
	_ =	strace $0x9000004C  }
0xb2: {  	s29 =	simm.s32 $0x9;
	_ =	strace $0x8000004E  }
0xb3: {  	_ =	swait.ge [sflag:s29], $0x1  }
0xb4: {  	[sflag:s29] =	ssyncadd.s32 $0xFFFFFFFF  }
0xb5: {  	_ =	strace $0x9000004E  }
0xb6: {  	_ =	sfence  }
0xb7: {  	s30 =	sld [smem:$0x0];
	_ =	sdelay $0x2  }
0xb8: {  	s31 =	sshll.u32 s1, $0xD;
	s1 =	sshrl.u32 s1, $0x2  }
0xb9: {  	s3 =	sand.u32 $0x4000, s31;
	s1 =	sadd.s32 s1, s30  }
0xba: {  	s0 =	sor.u32 s3, s0;
	s1 =	sshll.u32 s1, $0x11  }
0xbb: {  	s0 =	sor.u32 s1, s0  }
0xbc: {  	s0 =	sadd.s32 $0x8F2B, s0  }
0xbd: {  	[sflag:s0] =	ssyncadd.remote.s32 $0x1  }
0xbe: {  	_ =	sfence.sel $0xFFFF  }
0xbf: {  	[dreg:$0x0] =	wrdreg $0xFFFFFFFF;
	(pc) =	sbr.abs _section_cstart, $3  }
0xc0: {  	[dreg:$0x1] =	wrdreg $0xFFFFFFFF  }
0xc1: {  	_ =	task.clear_ibuf [dreg:s6], $0x2FFFF;
	_ =	strace $0x9FFFFFFF  }
0xc2: {  	(tm) =	ssettm $0x7FFFFFFF  }
0xc3: {  	_ =	shalt  }
tec
execute0_lowered:
.L_overlay_start_1:
0x0: {  	(tag) =	ssettag $0x1  }
0x1: {  	s4 =	rddreg [dreg:$0x0]  }
0x2: {  	s2 =	rddreg [dreg:$0x1]  }
0x3: {  	s0 =	rddreg [dreg:$0x2]  }
0x4: {  	s3 =	simm.s32 $0x0;
	s1 =	stileid.u32;
	s5 =	srdreg.scid  }
0x5: {  	s17 =	simm.s32 $0xFA;
	s18 =	simm.s32 $0xA000;
	s19 =	simm.s32 $0xDE80  }
0x6: {  	s20 =	simm.s32 $0x1;
	s21 =	simm.s32 $0x2;
	s22 =	simm.s32 $0x4F00  }
0x7: {  	s23 =	simm.s32 $0x9E00;
	s24 =	simm.s32 $0x9F00;
	s25 =	simm.s32 $0x0  }
0x8: {  	[smem:$0x7FF] =	sst s3;
	s6 =	smul.u32 $0xA00, s1;
	s5 =	sand.u32 $0x1, s5  }
0x9: {  	s8 =	smul.u32 $0x9C00, s1;
	s9 =	sadd.s32 $0x6E600, s4;
	s12 =	sadd.s32 $0x95800, s4  }
0xa: {  	s15 =	sadd.s32 $0x92400, s2;
	p0 =	seq.s32 s1, $0xF;
	s11 =	smul.u32 $0x13880, s5  }
0xb: {  	_ =	strace $0x8000004D;
	s7 =	ssub.s32 $0x2, s5;
	s30 =	smul.u32 $0x9C400, s5  }
0xc: {  	s10 =	sshrl.u32 s7, $0x1;
	s6 =	sadd.s32 s6, s4;
	s14 =	sadd.s32 s8, s2  }
0xd: {  	s13 =	sshrl.u32 s8, $0x3;
	s10 =	ssub.s32 s7, s10;
	s11 =	sadd.s32 s9, s11  }
0xe: {  	s4 =	sadd.s32 $0x16400, s6;
	s5 =	sadd.s32 $0x2600, s6;
	s16 =	sshrl.u32 s30, $0x3  }
0xf: {  	s7 =	sadd.s32 s8, s30;
	s14 =	sshrl.u32 @!p0 s14, $0x3;
	s6 =	sadd.s32 s9, s16  }
0x10: {  	s7 =	sshrl.u32 s7, $0x3;
	s31 =	sadd.s32 s12, s16;
	s9 =	smax.u32 s10, $0x1  }
0x11: {  	s10 =	sadd.s32 s13, s11;
	s13 =	sshll.u32 @!p0 s1, $0x6;
	s11 =	sadd.s32 $0x12480, s11  }
0x12: {  	s16 =	simm.s32 $0x5000;
	s7 =	sadd.s32 s12, s7;
	s8 =	sadd.s32 $0x12480, s31  }
0x13: {  	s12 =	sshrl.u32 @p0 s15, $0x3;
	s13 =	sor.u32 @!p0 $0x1C03, s13;
	s15 =	simm.s32 $0x3  }
.LBB2_1:
0x14: {  	s26 =	simm.s32 @p0 $0x1FC3  }
0x15: {  	[spmem:s12], [sflag:s26] =	dma.local @p0 [hbm:s11], $0x1400  }
0x16: {  	s26 =	simm.s32 @p0 $0x3  }
0x17: {  	_ =	swait.ge @p0 [sflag:s26], $0x1400  }
0x18: {  	[sflag:s26] =	ssyncset.done @p0 $0x0  }
0x19: {  	[sflag:s26] =	ssyncadd.s32 @p0 $0xFFFFEC00;
	s26 =	simm.s32 @!p0 $0x3  }
0x1a: {  	[spmem:s14], [sflag:s13] =	dma.local @!p0 [hbm:s10], $0x1380  }
0x1b: {  	_ =	swait.ge @!p0 [sflag:s26], $0x1380  }
0x1c: {  	[sflag:s26] =	ssyncset.done @!p0 $0x0  }
0x1d: {  	[sflag:s26] =	ssyncadd.s32 @!p0 $0xFFFFEC80  }
0x1e: {  	[tilespmem:s3], [sflag:$0x3] =	stream.linear.gather [hbm4b:s4+s3], $0x5000, $0x38;
	[tilespmem:$0x1B940] =	vst v63  }
0x1f: {  	_ =	swait.ge [sflag:s15], $0x5000  }
0x20: {  	[sflag:s15] =	ssyncset.done $0x0  }
0x21: {  	[sflag:s15] =	ssyncadd.s32 $0xFFFFB000  }
0x22: {  	[tilespmem:s16], [sflag:$0x3] =	stream.linear.gather [hbm4b:s5+s3], $0x5000, $0x38;
	[tilespmem:$0x1B940] =	vst v63  }
0x23: {  	_ =	swait.ge [sflag:s15], $0x5000  }
0x24: {  	[sflag:s15] =	ssyncset.done $0x0  }
0x25: {  	[sflag:s15] =	ssyncadd.s32 $0xFFFFB000  }
0x26: {  	[bflag:$0x0] =	sbarrier.arrive $0xFFFF  }
0x27: {  	[tilespmem:s18], [sflag:$0x1] =	stream.indirect.gather [hbm4b:s6+s17], $0x40, s3, s17, $0xb8;
	[tilespmem:$0x1B940] =	vst v63  }
0x28: {  	s31 =	simm.s32 $0x100  }
0x29: {  	[tilespmem:s19], [sflag:$0x2] =	stream.indirect.gather [hbm4b:s6+s17], $0x40, s31, s17, $0xb8;
	[tilespmem:$0x1B940] =	vst v63  }
0x2a: {  	_ =	swait.ge [sflag:s20], $0x3E80  }
0x2b: {  	[sflag:s20] =	ssyncset.done $0x0  }
0x2c: {  	s29 =	simm.s32 $0x5000;
	[sflag:s20] =	ssyncadd.s32 $0xFFFFC180  }
0x2d: {  	[spmem:s2] =	stream.indirect.scatter.add.f32 [tilespmem:s18], [sflag:$0x3], $0x40, s29, s17, $0xb8;
	[tilespmem:$0x1B940] =	vst v63  }
0x2e: {  	_ =	swait.ge [sflag:s15], $0x3E80  }
0x2f: {  	[sflag:s15] =	ssyncset.done $0x0  }
0x30: {  	s30 =	simm.s32 $0x200;
	[sflag:s15] =	ssyncadd.s32 $0xFFFFC180  }
0x31: {  	[tilespmem:s18], [sflag:$0x1] =	stream.indirect.gather [hbm4b:s6+s17], $0x40, s30, s17, $0xb8;
	[tilespmem:$0x1B940] =	vst v63  }
0x32: {  	_ =	swait.ge [sflag:s21], $0x3E80  }
0x33: {  	[sflag:s21] =	ssyncset.done $0x0  }
0x34: {  	s31 =	simm.s32 $0x5100;
	[sflag:s21] =	ssyncadd.s32 $0xFFFFC180  }
0x35: {  	[spmem:s2] =	stream.indirect.scatter.add.f32 [tilespmem:s19], [sflag:$0x3], $0x40, s31, s17, $0xb8;
	[tilespmem:$0x1B940] =	vst v63  }
0x36: {  	_ =	swait.ge [sflag:s15], $0x3E80  }
0x37: {  	s28 =	simm.s32 $0x1000;
	s26 =	simm.s32 $0x200;
	[sflag:s15] =	ssyncset.done $0x0  }
.LBB2_2:
0x38: {  	s29 =	sadd.s32 $0x100, s26  }
0x39: {  	[sflag:s15] =	ssyncadd.s32 $0xFFFFC180;
	s30 =	smov.u32 s28;
	s31 =	sadd.s32 $0x800, s28  }
0x3a: {  	[tilespmem:s19], [sflag:$0x2] =	stream.indirect.gather [hbm4b:s6+s17], $0x40, s29, s17, $0xb8;
	[tilespmem:$0x1B940] =	vst v63  }
0x3b: {  	p1 =	sne.s32 s28, $0x13000;
	_ =	swait.ge [sflag:s20], $0x3E80  }
0x3c: {  	[sflag:s20] =	ssyncset.done $0x0  }
0x3d: {  	s28 =	sadd.s32 $0x5000, s26;
	[sflag:s20] =	ssyncadd.s32 $0xFFFFC180  }
0x3e: {  	[spmem:s2] =	stream.indirect.scatter.add.f32 [tilespmem:s18], [sflag:$0x3], $0x40, s28, s17, $0xb8;
	[tilespmem:$0x1B940] =	vst v63  }
0x3f: {  	_ =	swait.ge [sflag:s15], $0x3E80  }
0x40: {  	[sflag:s15] =	ssyncset.done $0x0  }
0x41: {  	s28 =	sadd.s32 $0x200, s26;
	[sflag:s15] =	ssyncadd.s32 $0xFFFFC180  }
0x42: {  	[tilespmem:s18], [sflag:$0x1] =	stream.indirect.gather [hbm4b:s6+s17], $0x40, s28, s17, $0xb8;
	[tilespmem:$0x1B940] =	vst v63  }
0x43: {  	_ =	swait.ge [sflag:s21], $0x3E80  }
.Ltmp0:
0x44: {  	[sflag:s21] =	ssyncset.done $0x0;
	(pc) =	sbr.rel @p1 .LBB2_2-.Ltmp0, $4  }
0x45: {  	s26 =	sadd.s32 $0x5100, s26;
	[sflag:s21] =	ssyncadd.s32 $0xFFFFC180  }
0x46: {  	[spmem:s2] =	stream.indirect.scatter.add.f32 [tilespmem:s19], [sflag:$0x3], $0x40, s26, s17, $0xb8;
	[tilespmem:$0x1B940] =	vst v63  }
0x47: {  	_ =	swait.ge [sflag:s15], $0x3E80  }
0x48: {  	s28 =	smov.u32 s31;
	s26 =	sshra.s32 s30, $0x2;
	[sflag:s15] =	ssyncset.done $0x0  }
0x49: {  	s28 =	sadd.s32 $0x100, s26;
	[sflag:s15] =	ssyncadd.s32 $0xFFFFC180  }
0x4a: {  	[tilespmem:s19], [sflag:$0x2] =	stream.indirect.gather [hbm4b:s6+s17], $0x40, s28, s17, $0xb8;
	[tilespmem:$0x1B940] =	vst v63  }
0x4b: {  	_ =	swait.ge [sflag:s20], $0x3E80  }
0x4c: {  	[sflag:s20] =	ssyncset.done $0x0  }
0x4d: {  	s29 =	sadd.s32 $0x5000, s26;
	[sflag:s20] =	ssyncadd.s32 $0xFFFFC180  }
0x4e: {  	[spmem:s2] =	stream.indirect.scatter.add.f32 [tilespmem:s18], [sflag:$0x3], $0x40, s29, s17, $0xb8;
	[tilespmem:$0x1B940] =	vst v63  }
0x4f: {  	_ =	swait.ge [sflag:s15], $0x3E80  }
0x50: {  	[sflag:s15] =	ssyncset.done $0x0  }
0x51: {  	s30 =	sadd.s32 $0x200, s26;
	[sflag:s15] =	ssyncadd.s32 $0xFFFFC180  }
0x52: {  	[tilespmem:s18], [sflag:$0x1] =	stream.indirect.gather [hbm4b:s6+s17], $0x40, s30, s17, $0xb8;
	[tilespmem:$0x1B940] =	vst v63  }
0x53: {  	_ =	swait.ge [sflag:s21], $0x3E80  }
0x54: {  	[sflag:s21] =	ssyncset.done $0x0  }
0x55: {  	s31 =	sadd.s32 $0x5100, s26;
	[sflag:s21] =	ssyncadd.s32 $0xFFFFC180  }
0x56: {  	[spmem:s2] =	stream.indirect.scatter.add.f32 [tilespmem:s19], [sflag:$0x3], $0x40, s31, s17, $0xb8;
	[tilespmem:$0x1B940] =	vst v63  }
0x57: {  	_ =	swait.ge [sflag:s15], $0x3E80  }
0x58: {  	[sflag:s15] =	ssyncset.done $0x0  }
0x59: {  	[sflag:s15] =	ssyncadd.s32 $0xFFFFC180  }
0x5a: {  	[tilespmem:s19], [sflag:$0x2] =	stream.indirect.gather [hbm4b:s6+s17], $0x40, s22, s17, $0xb8;
	[tilespmem:$0x1B940] =	vst v63  }
0x5b: {  	_ =	swait.ge [sflag:s20], $0x3E80  }
0x5c: {  	[sflag:s20] =	ssyncset.done $0x0  }
0x5d: {  	[sflag:s20] =	ssyncadd.s32 $0xFFFFC180  }
0x5e: {  	[spmem:s2] =	stream.indirect.scatter.add.f32 [tilespmem:s18], [sflag:$0x3], $0x40, s23, s17, $0xb8;
	[tilespmem:$0x1B940] =	vst v63  }
0x5f: {  	_ =	swait.ge [sflag:s15], $0x3E80  }
0x60: {  	[sflag:s15] =	ssyncset.done $0x0  }
0x61: {  	[sflag:s15] =	ssyncadd.s32 $0xFFFFC180  }
0x62: {  	_ =	swait.ge [sflag:s21], $0x3E80  }
0x63: {  	[sflag:s21] =	ssyncset.done $0x0  }
0x64: {  	[sflag:s21] =	ssyncadd.s32 $0xFFFFC180  }
0x65: {  	[spmem:s2] =	stream.indirect.scatter.add.f32 [tilespmem:s19], [sflag:$0x3], $0x40, s24, s17, $0xb8;
	[tilespmem:$0x1B940] =	vst v63  }
0x66: {  	_ =	swait.ge [sflag:s15], $0x3E80  }
0x67: {  	[sflag:s15] =	ssyncset.done $0x0  }
0x68: {  	[sflag:s15] =	ssyncadd.s32 $0xFFFFC180  }
0x69: {  	s26 =	simm.s32 @p0 $0x1FC3;
	[bflag:$0x0] =	sbarrier.arrive $0xFFFF  }
0x6a: {  	[hbm:s8], [sflag:s26] =	dma.local @p0 [spmem:s12], $0x1400  }
0x6b: {  	s26 =	simm.s32 @p0 $0x3  }
0x6c: {  	s25 =	sadd.s32 $0x1, s25;
	_ =	swait.ge @p0 [sflag:s26], $0x1400  }
0x6d: {  	p1 =	sne.s32 s25, s9;
	[sflag:s26] =	ssyncset.done @p0 $0x0  }
.Ltmp1:
0x6e: {  	[sflag:s26] =	ssyncadd.s32 @p0 $0xFFFFEC00;
	s26 =	simm.s32 @!p0 $0x3;
	(pc) =	sbr.rel @p1 .LBB2_1-.Ltmp1, $4  }
0x6f: {  	[hbm:s7], [sflag:s13] =	dma.local @!p0 [spmem:s14], $0x1380  }
0x70: {  	_ =	swait.ge @!p0 [sflag:s26], $0x1380  }
0x71: {  	[sflag:s26] =	ssyncset.done @!p0 $0x0  }
0x72: {  	[sflag:s26] =	ssyncadd.s32 @!p0 $0xFFFFEC80  }
0x73: {  	_ =	sfence.sel $0x180000  }
0x74: {  	[bflag:$0x0] =	sbarrier.arrive $0xFFFF  }
0x75: {  	p0 =	sne.s32 s1, $0x0;
	_ =	strace $0x9000004D  }
0x76: {  	s0 =	sadd.s32 @!p0 $0x100000, s0;
	[bflag:$0x2] =	sbarrier.arrive $0xFFFF  }
0x77: {  	[sflag:s0] =	ssyncadd.tile.s32 @!p0 $0x1;
	_ =	shalt  }
.Lfunc_end2:
_tile_overlayer_lowered:
.L_overlay_start_2:
0x78: {  	(tag) =	ssettag $0x2  }
0x79: {  	s0 =	rddreg [dreg:$0x0];
	s2 =	stileid.u32  }
0x7a: {  	s1 =	rddreg [dreg:$0x1];
	p0 =	sne.s32 s2, $0x0  }
0x7b: {  	s3 =	rddreg [dreg:$0x2];
	[bflag:$0x3] =	sbarrier.arrive $0xFFFF;
	s2 =	simm.s32 @!p0 $0x1C03  }
0x7c: {  	[timem:s3], [sflag:s2] =	dma.local @!p0 [hbm:s0], s1  }
0x7d: {  	s0 =	simm.s32 @!p0 $0x3  }
0x7e: {  	_ =	swait.ge @!p0 [sflag:s0], s1  }
0x7f: {  	s1 =	ssub.s32 @!p0 $0x0, s1;
	[sflag:s0] =	ssyncset.done @!p0 $0x0  }
0x80: {  	[sflag:s0] =	ssyncadd.s32 @!p0 s1  }
0x81: {  	[bflag:$0x3] =	sbarrier.arrive $0xFFFF  }
0x82: {  	_ =	shalt  }

// kernel: kernel.8.cloned.1.call-start
scs
__scs_entry_jumppad:
0x0: {  	(pc) =	sbr.rel $0x88, $3  }
0x1: {  	(tag) =	ssettag $0x0;
	lr =	simm.s32 $0x1  }
0x2: {  	[smem:$0x3F98] =	sst lr;
	_ =	strace $0xD0000000  }
0x3: {  	_ = 	snop  }
0x4: {  	_ = 	snop  }
0x5: {  	_ = 	snop  }
0x6: {  	_ = 	snop  }
0x7: {  	_ = 	snop  }
__scs_overlays_trampoline_lowered:
0x8: {  	[smem:$0x3FA7] =	sst s0  }
0x9: {  	[smem:$0x3FA8] =	sst s1  }
0xa: {  	[smem:$0x3FA9] =	sst s2  }
0xb: {  	[smem:$0x3FAA] =	sst s3  }
0xc: {  	[smem:$0x3FAB] =	sst s4  }
0xd: {  	[smem:$0x3FAC] =	sst s5  }
0xe: {  	[smem:$0x3FAD] =	sst s6  }
0xf: {  	[smem:$0x3FAE] =	sst s7  }
0x10: {  	[smem:$0x3FAF] =	sst s8  }
0x11: {  	[smem:$0x3FB0] =	sst s9;
	s0 =	simm.s32 @!p0 $0x0  }
0x12: {  	s1 =	sld [smem:$0x3F96];
	s0 =	simm.s32 @p0 $0x1  }
0x13: {  	[smem:$0x3FB1] =	sst s0;
	s0 =	simm.s32 @!p1 $0x0  }
0x14: {  	s2 =	sld [smem:$0x3F95];
	s0 =	simm.s32 @p1 $0x1  }
0x15: {  	[smem:$0x3FB2] =	sst s0;
	s0 =	simm.s32 @!p2 $0x0  }
0x16: {  	s3 =	sld [smem:$0x3FDB];
	s0 =	simm.s32 @p2 $0x1  }
0x17: {  	s4 =	simm.s32 $0x1BF5;
	[smem:$0x3FB4] =	sst s0  }
0x18: {  	s0 =	sld [smem:$0x3F97];
	_ =	swait.ge [sflag:s4], $0x0  }
0x19: {  	s7 =	sld [smem:$0x3F98]  }
0x1a: {  	s8 =	sadd.s32 $0xFFFFE003, lr  }
0x1b: {  	s9 =	sadd.s32 $0xFFFFFEF7, lr;
	s5 =	simm.s32 $0xFFFFFFFF;
	p2 =	slt.u32 s8, $0xFFFFF086  }
0x1c: {  	p1 =	slt.u32 s9, $0xF7A;
	s5 =	simm.s32 @!p2 $0x0  }
0x1d: {  	s5 =	simm.s32 @p1 $0x1;
	p0 =	seq.s32 s7, s2  }
0x1e: {  	s7 =	smul.u32 @!p0 $0xF7A, s2;
	p2 =	seq.s32 @!p0 s5, $0x0  }
0x1f: {  	s9 =	smul.u32 $0xF7A, s1;
	s8 =	simm.s32 @!p0 $0x1BF5;
	p2 =	por !p2, p0  }
0x20: {  	[sflag:s8] =	ssyncset.s32 @!p0 $0xFFFFF086;
	s6 =	sadd.s32 @!p0 s3, s7;
	s7 =	simm.s32 @!p0 $0x108  }
0x21: {  	s3 =	sadd.s32 s3, s9;
	s6 =	sadd.s32 @!p0 $0x88, s6;
	s7 =	simm.s32 @p2 $0x1082  }
0x22: {  	[simem:s7], [sflag:s8] =	dma.local @!p0 [hbm:s6], $0xF7A  }
0x23: {  	s9 =	sor.u32 $0xD0000000, s2;
	s6 =	simm.s32 $0x108;
	_ =	swait.ge @!p0 [sflag:s8], $0x0  }
0x24: {  	s3 =	sadd.s32 $0x88, s3;
	s6 =	simm.s32 @!p1 $0x1082;
	[sflag:s4] =	ssyncset.s32 $0xFFFFF086  }
0x25: {  	[simem:s6], [sflag:s4] =	dma.local [hbm:s3], $0xF7A  }
0x26: {  	[smem:$0x3F98] =	sst s1;
	(tag) =	ssettag s2;
	_ =	strace s9  }
0x27: {  	s1 =	sld [smem:$0x3FA8]  }
0x28: {  	s2 =	sld [smem:$0x3FA9]  }
0x29: {  	s4 =	sld [smem:$0x3FAB]  }
0x2a: {  	p0 =	seq.s32 s5, $0x0;
	s5 =	sld [smem:$0x3FAC]  }
0x2b: {  	s6 =	sld [smem:$0x3FAD]  }
0x2c: {  	s7 =	sld [smem:$0x3FAE]  }
0x2d: {  	s3 =	simm.s32 $0x108;
	s8 =	sld [smem:$0x3FAF]  }
0x2e: {  	s3 =	simm.s32 @!p0 $0x1082;
	s9 =	sld [smem:$0x3FB0]  }
0x2f: {  	lr =	sadd.s32 s0, s3;
	s0 =	sld [smem:$0x3FA7]  }
0x30: {  	s3 =	sld [smem:$0x3FAA]  }
0x31: {  	[smem:$0x3FB3] =	sst s10  }
0x32: {  	s10 =	sld [smem:$0x3FB1];
	_ =	sdelay $0x3  }
0x33: {  	p0 =	seq.s32 s10, $0x1;
	s10 =	sld [smem:$0x3FB3];
	_ =	sdelay $0x3  }
0x34: {  	[smem:$0x3FB3] =	sst s10  }
0x35: {  	s10 =	sld [smem:$0x3FB2];
	_ =	sdelay $0x3  }
0x36: {  	p1 =	seq.s32 s10, $0x1;
	s10 =	sld [smem:$0x3FB3];
	_ =	sdelay $0x3  }
0x37: {  	[smem:$0x3FB3] =	sst s10  }
0x38: {  	s10 =	sld [smem:$0x3FB4]  }
0x39: {  	_ = 	snop;
	(pc) =	sbr.ind lr, $3  }
0x3a: {  	_ = 	snop  }
0x3b: {  	_ = 	snop  }
0x3c: {  	p2 =	seq.s32 s10, $0x1;
	s10 =	sld [smem:$0x3FB3]  }
0x3d: {  	_ =	shalt  }
0x3e: {  	_ =	shalt  }
0x3f: {  	_ =	shalt  }
0x40: {  	_ =	shalt  }
0x41: {  	_ =	shalt  }
0x42: {  	_ =	shalt  }
0x43: {  	_ =	shalt  }
0x44: {  	_ =	shalt  }
0x45: {  	_ =	shalt  }
0x46: {  	_ =	shalt  }
0x47: {  	_ =	shalt  }
0x48: {  	_ =	shalt  }
0x49: {  	_ =	shalt  }
0x4a: {  	_ =	shalt  }
0x4b: {  	_ =	shalt  }
0x4c: {  	_ =	shalt  }
0x4d: {  	_ =	shalt  }
0x4e: {  	_ =	shalt  }
0x4f: {  	_ =	shalt  }
0x50: {  	_ =	shalt  }
0x51: {  	_ =	shalt  }
0x52: {  	_ =	shalt  }
0x53: {  	_ =	shalt  }
0x54: {  	_ =	shalt  }
0x55: {  	_ =	shalt  }
0x56: {  	_ =	shalt  }
0x57: {  	_ =	shalt  }
0x58: {  	_ =	shalt  }
0x59: {  	_ =	shalt  }
0x5a: {  	_ =	shalt  }
0x5b: {  	_ =	shalt  }
0x5c: {  	_ =	shalt  }
0x5d: {  	_ =	shalt  }
0x5e: {  	_ =	shalt  }
0x5f: {  	_ =	shalt  }
0x60: {  	_ =	shalt  }
0x61: {  	_ =	shalt  }
0x62: {  	_ =	shalt  }
0x63: {  	_ =	shalt  }
0x64: {  	_ =	shalt  }
0x65: {  	_ =	shalt  }
0x66: {  	_ =	shalt  }
0x67: {  	_ =	shalt  }
0x68: {  	_ =	shalt  }
0x69: {  	_ =	shalt  }
0x6a: {  	_ =	shalt  }
0x6b: {  	_ =	shalt  }
0x6c: {  	_ =	shalt  }
0x6d: {  	_ =	shalt  }
0x6e: {  	_ =	shalt  }
0x6f: {  	_ =	shalt  }
0x70: {  	_ =	shalt  }
0x71: {  	_ =	shalt  }
0x72: {  	_ =	shalt  }
0x73: {  	_ =	shalt  }
0x74: {  	_ =	shalt  }
0x75: {  	_ =	shalt  }
0x76: {  	_ =	shalt  }
0x77: {  	_ =	shalt  }
0x78: {  	_ =	shalt  }
0x79: {  	_ =	shalt  }
0x7a: {  	_ =	shalt  }
0x7b: {  	_ =	shalt  }
0x7c: {  	_ =	shalt  }
0x7d: {  	_ =	shalt  }
0x7e: {  	_ =	shalt  }
0x7f: {  	_ =	shalt  }
0x80: {  	_ =	shalt  }
0x81: {  	_ =	shalt  }
0x82: {  	_ =	shalt  }
0x83: {  	_ =	shalt  }
0x84: {  	_ =	shalt  }
0x85: {  	_ =	shalt  }
0x86: {  	_ =	shalt  }
0x87: {  	_ =	shalt  }
.Lfunc_end0:
.L_simem_size_0:
called_computation_lowered:
.L_overlay_start_0:
0x88: {  	s2 =	sld [smem:$0x3FD9]  }
0x89: {  	s3 =	sld [smem:$0x3FFE];
	_ =	sdelay $0x1  }
0x8a: {  	s1 =	srdreg.scid  }
0x8b: {  	s0 =	sand.u32 $0x1, s1  }
0x8c: {  	s16 =	sshll.u32 s0, $0xA;
	s2 =	sadd.s32 s3, s2  }
0x8d: {  	s2 =	sadd.s32 s2, s16  }
0x8e: {  	[smem:$0x3FBF] =	sst s2  }
0x8f: {  	_ = 	snop  }
0x90: {  	(tm) =	ssettm $0x1  }
0x91: {  	s17 =	sld [smem:$0x3FFB];
	_ =	sdelay $0x3  }
0x92: {  	_ =	strace s17  }
0x93: {  	s2 =	sld [smem:$0x3FFC];
	_ =	sdelay $0x3  }
0x94: {  	_ =	strace s2  }
0x95: {  	s2 =	sld [smem:$0x3FFD];
	_ =	sdelay $0x3  }
0x96: {  	_ =	strace s2  }
0x97: {  	_ =	strace $0x8FFFFFFF  }
0x98: {  	s18 =	sld [smem:$0x3FDB];
	_ =	sdelay $0x1  }
0x99: {  	s19 =	simm.s32 $_scs_section_size  }
0x9a: {  	s4 =	simm.s32 $_size__tile_overlayer_lowered;
	s5 =	simm.s32 $_tile_overlayer_lowered  }
0x9b: {  	s22 =	simm.s32 $0x1BFF;
	s21 =	sshll.u32 s5, $0x1;
	s2 =	sadd.s32 s19, s18  }
0x9c: {  	s6 =	simm.s32 $0x0;
	s20 =	sshll.u32 s4, $0x1;
	s4 =	sadd.s32 s21, s2  }
0x9d: {  	[timem:s6], [sflag:s22] =	dma.local [hbm:s4], s20  }
0x9e: {  	_ =	swait.ge [sflag:s22], s20  }
0x9f: {  	s3 =	ssub.s32 $0x0, s20;
	[sflag:s22] =	ssyncset.done $0x0  }
0xa0: {  	[sflag:s22] =	ssyncadd.s32 s3;
	_ =	sdelay $0x1  }
0xa1: {  	s23 =	simm.s32 $0x1B8B  }
0xa2: {  	_ =	swait.ge [sflag:s23], $0x1  }
0xa3: {  	[sflag:s23] =	ssyncset.done $0x0  }
0xa4: {  	s25 =	simm.s32 $0x1B8E;
	s24 =	sld [smem:$0x3FFE];
	[sflag:s23] =	ssyncadd.s32 $0xFFFFFFFF  }
0xa5: {  	s26 =	simm.s32 $execute0_lowered;
	[smem:$0x3FD2] =	sst s25  }
0xa6: {  	s4 =	sshll.u32 s26, $0x1;
	_ =	strace $0x80000046;
	[dreg:$0x1] =	wrdreg $0xFFFFFFFF  }
0xa7: {  	s28 =	simm.s32 $_size_execute0_lowered;
	s2 =	sadd.s32 s2, s4;
	[dreg:$0x0] =	wrdreg $0x0  }
0xa8: {  	s4 =	sshll.u32 s28, $0x1;
	[dreg:$0x2] =	wrdreg s2  }
0xa9: {  	[dreg:$0x3] =	wrdreg s4  }
0xaa: {  	[dreg:$0x4] =	wrdreg $0xC0  }
0xab: {  	_ =	task [dreg:s6], $0x5FFFF  }
0xac: {  	[dreg:$0x1] =	wrdreg $0xFFFFFFFF  }
0xad: {  	[dreg:$0x0] =	wrdreg $0x60  }
0xae: {  	[dreg:$0x2] =	wrdreg s24  }
0xaf: {  	[dreg:$0x3] =	wrdreg $0x5FA00  }
0xb0: {  	[dreg:$0x4] =	wrdreg $0x9  }
0xb1: {  	_ =	task.clear_ibuf [dreg:s6], $0x5FFFF;
	_ =	strace $0x90000046  }
0xb2: {  	s29 =	simm.s32 $0x9;
	_ =	strace $0x80000048  }
0xb3: {  	_ =	swait.ge [sflag:s29], $0x1  }
0xb4: {  	[sflag:s29] =	ssyncadd.s32 $0xFFFFFFFF  }
0xb5: {  	_ =	strace $0x90000048  }
0xb6: {  	_ =	sfence  }
0xb7: {  	s30 =	sld [smem:$0x0];
	_ =	sdelay $0x2  }
0xb8: {  	s31 =	sshll.u32 s1, $0xD;
	s1 =	sshrl.u32 s1, $0x2  }
0xb9: {  	s3 =	sand.u32 $0x4000, s31;
	s1 =	sadd.s32 s1, s30  }
0xba: {  	s0 =	sor.u32 s3, s0;
	s1 =	sshll.u32 s1, $0x11  }
0xbb: {  	s0 =	sor.u32 s1, s0  }
0xbc: {  	s0 =	sadd.s32 $0x8F2B, s0  }
0xbd: {  	[sflag:s0] =	ssyncadd.remote.s32 $0x1  }
0xbe: {  	_ =	sfence.sel $0xFFFF  }
0xbf: {  	[dreg:$0x0] =	wrdreg $0xFFFFFFFF;
	(pc) =	sbr.abs _section_cstart, $3  }
0xc0: {  	[dreg:$0x1] =	wrdreg $0xFFFFFFFF  }
0xc1: {  	_ =	task.clear_ibuf [dreg:s6], $0x2FFFF;
	_ =	strace $0x9FFFFFFF  }
0xc2: {  	(tm) =	ssettm $0x7FFFFFFF  }
0xc3: {  	_ =	shalt  }
tec
execute0_lowered:
.L_overlay_start_1:
0x0: {  	(tag) =	ssettag $0x1  }
0x1: {  	s4 =	rddreg [dreg:$0x0]  }
0x2: {  	s0 =	stileid.u32;
	s1 =	srdreg.scid  }
0x3: {  	s2 =	rddreg [dreg:$0x1];
	s3 =	simm.s32 $0x0;
	s12 =	simm.s32 $0xFA  }
0x4: {  	s5 =	smul.u32 $0xA00, s0;
	s6 =	sand.u32 $0x1, s1;
	s1 =	rddreg [dreg:$0x2]  }
0x5: {  	s13 =	simm.s32 $0x1;
	[smem:$0x7FF] =	sst s3;
	s8 =	smul.u32 $0x2700, s0  }
0x6: {  	s10 =	smul.u32 $0x9C00, s0;
	p0 =	seq.s32 s0, $0xF;
	s14 =	sshll.u32 s0, $0x6  }
0x7: {  	s7 =	smul.u32 $0x27100, s6;
	_ =	strace $0x80000047;
	s28 =	ssub.s32 $0x2, s6  }
0x8: {  	s31 =	smul.u32 $0xA000, s6;
	s14 =	sor.u32 $0x1C02, s14;
	s9 =	sadd.s32 s5, s4  }
0x9: {  	s29 =	sshrl.u32 s28, $0x1;
	s30 =	sshrl.u32 s10, $0x2;
	s10 =	simm.s32 $0x5000  }
0xa: {  	s26 =	sadd.s32 s8, s7;
	s7 =	ssub.s32 s28, s29;
	s6 =	sadd.s32 $0x2600, s9  }
0xb: {  	s8 =	sshrl.u32 s31, $0x2;
	s5 =	sshrl.u32 s26, $0x3;
	s7 =	smax.u32 s7, $0x1  }
0xc: {  	s11 =	sadd.s32 s5, s4;
	s4 =	simm.s32 $0x28;
	s5 =	sadd.s32 s30, s2  }
0xd: {  	v0 =	vimm.f32 $0.0e+00;
	v1 =	vimm.f32 $1.000000000e+00;
	s4 =	simm.s32 @!p0 $0x27;
	s9 =	sadd.s32 $0xC600, s11;
	s11 =	simm.s32 $0x2  }
.LBB2_1:
0xe: {  	[tilespmem:$0x5000] =	vst v0  }
0xf: {  	[tilespmem:$0x5010] =	vst v0  }
0x10: {  	[tilespmem:$0x5020] =	vst v0  }
0x11: {  	[tilespmem:$0x5030] =	vst v0  }
0x12: {  	[tilespmem:$0x5040] =	vst v0  }
0x13: {  	[tilespmem:$0x5050] =	vst v0  }
0x14: {  	[tilespmem:$0x5060] =	vst v0  }
0x15: {  	[tilespmem:$0x5070] =	vst v0  }
0x16: {  	[tilespmem:$0x5080] =	vst v0  }
0x17: {  	[tilespmem:$0x5090] =	vst v0  }
0x18: {  	[tilespmem:$0x50A0] =	vst v0  }
0x19: {  	[tilespmem:$0x50B0] =	vst v0  }
0x1a: {  	[tilespmem:$0x50C0] =	vst v0  }
0x1b: {  	[tilespmem:$0x50D0] =	vst v0  }
0x1c: {  	[tilespmem:$0x50E0] =	vst v0  }
0x1d: {  	[tilespmem:$0x50F0] =	vst v0;
	s15 =	smov.u32 s5;
	s16 =	smov.u32 s4  }
.LBB2_2:
0x1e: {  	p0 =	sne.s32 s16, $0x1  }
.Ltmp0:
0x1f: {  	_ = 	snop;
	(pc) =	sbr.rel @p0 .LBB2_2-.Ltmp0, $4  }
0x20: {  	[spmem:s15] =	stream.linear.scatter [tilespmem:s10], [sflag:$0x2], $0x100, $0x38;
	[tilespmem:$0x86B0] =	vst v63  }
0x21: {  	_ =	swait.ge [sflag:s11], $0x100  }
0x22: {  	[sflag:s11] =	ssyncset.done $0x0  }
0x23: {  	s15 =	sadd.s32 $0x100, s15;
	s16 =	sadd.s32 $0xFFFFFFFF, s16;
	[sflag:s11] =	ssyncadd.s32 $0xFFFFFF00  }
0x24: {  	s15 =	simm.s32 $0x40;
	s16 =	simm.s32 $0x0  }
.LBB2_4:
0x25: {  	p0 =	sne.s32 s15, $0x3E40;
	[tilespmem:s16+$0x5000] =	vst v1;
	s16 =	smov.u32 s15;
	s15 =	sadd.s32 $0x40, s15  }
.Ltmp1:
0x26: {  	(pc) =	sbr.rel @p0 .LBB2_4-.Ltmp1, $2  }
0x27: {  	_ =	sdelay $0x2  }
0x28: {  	s16 =	sshra.s32 s16, $0x2  }
0x29: {  	[tilespmem:s16+$0x5000] =	vst v1;
	s15 =	simm.s32 $0x0  }
0x2a: {  	[tilespmem:s15], [sflag:$0x2] =	stream.linear.gather [hbm4b:s6+s15], $0x5000, $0x38;
	[tilespmem:$0x86B0] =	vst v63  }
0x2b: {  	_ =	swait.ge [sflag:s11], $0x5000  }
0x2c: {  	[sflag:s11] =	ssyncset.done $0x0  }
0x2d: {  	[sflag:s11] =	ssyncadd.s32 $0xFFFFB000  }
0x2e: {  	[bflag:$0x0] =	sbarrier.arrive $0xFFFF  }
.LBB2_6:
0x2f: {  	p0 =	sne.s32 s15, $0x9C00  }
.Ltmp2:
0x30: {  	_ = 	snop;
	(pc) =	sbr.rel @p0 .LBB2_6-.Ltmp2, $4  }
0x31: {  	_ = 	snop  }
0x32: {  	s16 =	sshra.s32 s15, $0x2  }
0x33: {  	s15 =	sadd.s32 $0x400, s15;
	s16 =	sadd.s32 s16, s8  }
0x34: {  	[spmem:s2] =	stream.indirect.scatter.add.f32 [tilespmem:s10], [sflag:$0x1], $0x10, s16, s12, $0xb8;
	[tilespmem:$0x86B0] =	vst v63  }
0x35: {  	_ =	swait.ge [sflag:s13], $0xFA0  }
0x36: {  	s15 =	simm.s32 $0x27;
	[sflag:s13] =	ssyncset.done $0x0  }
.LBB2_8:
0x37: {  	p0 =	sne.s32 s15, $0x1;
	s15 =	sadd.s32 $0xFFFFFFFF, s15;
	[sflag:s13] =	ssyncadd.s32 $0xFFFFF060  }
.Ltmp3:
0x38: {  	(pc) =	sbr.rel @p0 .LBB2_8-.Ltmp3, $3  }
0x39: {  	_ =	sdelay $0x1  }
0x3a: {  	_ =	swait.ge [sflag:s13], $0xFA0  }
0x3b: {  	[sflag:s13] =	ssyncset.done $0x0  }
0x3c: {  	p0 =	sne.s32 s4, $0x1  }
.Ltmp4:
0x3d: {  	[sflag:s13] =	ssyncadd.s32 $0xFFFFF060;
	(pc) =	sbr.rel @!p0 .LBB2_11-.Ltmp4, $4  }
0x3e: {  	s15 =	sshrl.u32 s5, $0x3;
	[bflag:$0x0] =	sbarrier.arrive $0xFFFF  }
0x3f: {  	[hbm:s9], [sflag:s14] =	dma.local [spmem:s15], $0x20  }
0x40: {  	s16 =	sadd.s32 $0x100, s5;
	_ =	swait.ge [sflag:s11], $0x20  }
0x41: {  	s17 =	smov.u32 s9;
	s15 =	sadd.s32 $0xFFFFFFFF, s4;
	[sflag:s11] =	ssyncset.done $0x0  }
.LBB2_10:
0x42: {  	s18 =	sshrl.u32 s16, $0x3  }
0x43: {  	[sflag:s11] =	ssyncadd.s32 $0xFFFFFFE0;
	s17 =	sadd.s32 $0x20, s17;
	p0 =	sne.s32 s15, $0x1  }
0x44: {  	[hbm:s17], [sflag:s14] =	dma.local [spmem:s18], $0x20  }
.Ltmp5:
0x45: {  	_ = 	snop;
	(pc) =	sbr.rel @p0 .LBB2_10-.Ltmp5, $4  }
0x46: {  	_ = 	snop  }
0x47: {  	s15 =	sadd.s32 $0xFFFFFFFF, s15  }
0x48: {  	_ =	swait.ge [sflag:s11], $0x20  }
0x49: {  	s16 =	sadd.s32 $0x100, s16;
	[sflag:s11] =	ssyncset.done $0x0  }
.LBB2_11:
0x4a: {  	s3 =	sadd.s32 $0x1, s3  }
0x4b: {  	p0 =	sne.s32 s3, s7  }
.Ltmp6:
0x4c: {  	_ = 	snop;
	(pc) =	sbr.rel @p0 .LBB2_1-.Ltmp6, $2  }
0x4d: {  	_ =	sdelay $0x2  }
0x4e: {  	[sflag:s11] =	ssyncadd.s32 $0xFFFFFFE0  }
0x4f: {  	_ =	sfence.sel $0x180000  }
0x50: {  	[bflag:$0x0] =	sbarrier.arrive $0xFFFF  }
0x51: {  	p0 =	sne.s32 s0, $0x0;
	_ =	strace $0x90000047  }
0x52: {  	s0 =	sadd.s32 @!p0 $0x100000, s1;
	[bflag:$0x2] =	sbarrier.arrive $0xFFFF  }
0x53: {  	[sflag:s0] =	ssyncadd.tile.s32 @!p0 $0x1;
	_ =	shalt  }
.Lfunc_end2:
_tile_overlayer_lowered:
.L_overlay_start_2:
0x54: {  	(tag) =	ssettag $0x2  }
0x55: {  	s0 =	rddreg [dreg:$0x0];
	s2 =	stileid.u32  }
0x56: {  	s1 =	rddreg [dreg:$0x1];
	p0 =	sne.s32 s2, $0x0  }
0x57: {  	s3 =	rddreg [dreg:$0x2];
	[bflag:$0x3] =	sbarrier.arrive $0xFFFF;
	s2 =	simm.s32 @!p0 $0x1C02  }
0x58: {  	[timem:s3], [sflag:s2] =	dma.local @!p0 [hbm:s0], s1  }
0x59: {  	s0 =	simm.s32 @!p0 $0x2  }
0x5a: {  	_ =	swait.ge @!p0 [sflag:s0], s1  }
0x5b: {  	s1 =	ssub.s32 @!p0 $0x0, s1;
	[sflag:s0] =	ssyncset.done @!p0 $0x0  }
0x5c: {  	[sflag:s0] =	ssyncadd.s32 @!p0 s1  }
0x5d: {  	[bflag:$0x3] =	sbarrier.arrive $0xFFFF  }
0x5e: {  	_ =	shalt  }

</sc_bundles>
